<compile_context>
chip_gen: v7x
topology: tpu7x:2x2x1
jax: 0.10.2.dev20260603
libtpu: 0.0.44.dev20260713+nightly
codegen_flags: <defaults>
</compile_context>

<pallas_src>
import functools

import jax
import jax.numpy as jnp
from jax import lax
from jax.experimental import pallas as pl
from jax.experimental.pallas import tpu as pltpu
from jax.experimental.pallas import tpu_sc as plsc

_B = 4096
_D = 32
_NU = 1000000
_NI = 100000
_BM = 1024
_NBUF = 8


@functools.lru_cache(maxsize=None)
def _make_gather():
    info = plsc.get_sparse_core_info()
    nc, ns = info.num_cores, info.num_subcores
    nw = nc * ns
    bpw = _B // nw

    mesh = plsc.VectorSubcoreMesh(core_axis_name="c", subcore_axis_name="s")

    @functools.partial(
        pl.kernel,
        mesh=mesh,
        out_type=(
            jax.ShapeDtypeStruct((_B, _D), jnp.float32),
            jax.ShapeDtypeStruct((_B, _D), jnp.float32),
        ),
        scratch_types=[
            pltpu.VMEM((bpw + 16,), jnp.int32),
            pltpu.VMEM((bpw, _D), jnp.float32),
        ]
        + [pltpu.VMEM((_D, 128), jnp.float32) for _ in range(_NBUF)]
        + [pltpu.SemaphoreType.DMA for _ in range(_NBUF)],
        compiler_params=pltpu.CompilerParams(
            use_tc_tiling_on_sc=True, needs_layout_passes=False),
    )
    def gather(user_ids, item_ids, ut, it, u_out, i_out, idx_v, rows_v, *bs):
        bufs, sems = bs[:_NBUF], bs[_NBUF:]
        wid = lax.axis_index("s") * nc + lax.axis_index("c")
        base = wid * bpw

        def phase(tbl, ids_hbm, out_hbm):
            pltpu.sync_copy(ids_hbm.at[pl.ds(base, bpw)],
                            idx_v.at[pl.ds(0, bpw)])

            def uid_at(u):
                return idx_v[pl.ds(u, 16)][0]

            def start(u, k):
                j = pl.multiple_of(uid_at(u) & ~127, 128)
                pltpu.async_copy(tbl.at[:, pl.ds(j, 128)], bufs[k], sems[k])

            def extract(u, k):
                uid = uid_at(u)
                cv = jnp.full((16,), uid & 127, jnp.int32)
                r0 = lax.iota(jnp.int32, 16)
                pltpu.make_async_copy(tbl.at[:, pl.ds(0, 128)], bufs[k],
                                      sems[k]).wait()
                v0 = plsc.load_gather(bufs[k], [r0, cv])
                v1 = plsc.load_gather(bufs[k], [r0 + 16, cv])
                rows_v[u, pl.ds(0, 16)] = v0
                rows_v[u, pl.ds(16, 16)] = v1

            for k in range(_NBUF):
                start(k, k)

            def wave(w, carry):
                for k in range(_NBUF):
                    u = w * _NBUF + k
                    extract(u, k)
                    nu = u + _NBUF

                    @pl.when(nu < bpw)
                    def _():
                        start(nu, k)
                return carry

            lax.fori_loop(0, bpw // _NBUF, wave, 0, unroll=False)
            pltpu.sync_copy(rows_v, out_hbm.at[pl.ds(base, bpw)])

        phase(ut, user_ids, u_out)
        phase(it, item_ids, i_out)

    return gather


def _matmul_body(u_ref, i_ref, o_ref):
    o_ref[...] = lax.dot_general(
        u_ref[...], i_ref[...],
        (((1,), (1,)), ((), ())),
        preferred_element_type=jnp.float32,
    )


def _matmul(u, i):
    return pl.pallas_call(
        _matmul_body,
        grid=(_B // _BM,),
        in_specs=[
            pl.BlockSpec((_BM, _D), lambda m: (m, 0)),
            pl.BlockSpec((_B, _D), lambda m: (0, 0)),
        ],
        out_specs=pl.BlockSpec((_BM, _B), lambda m: (m, 0)),
        out_shape=jax.ShapeDtypeStruct((_B, _B), jnp.float32),
    )(u, i)


@jax.jit
def kernel(user_ids, item_ids, user_table, item_table):
    u, i = _make_gather()(user_ids, item_ids, user_table.T, item_table.T)
    return _matmul(u, i)

# --- scband reference (transcript-rebuilt; emitter-appended) ---
"""Pipeline reference for scband-collaborative-filtering-model-31224412241931 (READ-ONLY COPY).

The authoritative reference and input builder live on the scoring server;
editing this copy changes nothing except your own understanding.
"""

import jax, jax.numpy as jnp
import numpy as np

NUM_USERS = 1000000
NUM_ITEMS = 100000
LATENT_DIM = 32
BATCH = 4096


def setup_inputs(seed: int = 0) -> dict:
    key = jax.random.key(seed)
    k1, k2, k3, k4 = jax.random.split(key, 4)
    user_ids = jax.random.randint(k1, (BATCH,), 0, NUM_USERS, dtype=jnp.int64 if jax.config.jax_enable_x64 else jnp.int32).astype(jnp.int32)
    item_ids = jax.random.randint(k2, (BATCH,), 0, NUM_ITEMS, dtype=jnp.int64 if jax.config.jax_enable_x64 else jnp.int32).astype(jnp.int32)
    # Embedding tables (Keras Embedding default init: uniform)
    user_table = jax.random.uniform(k3, (NUM_USERS, LATENT_DIM), dtype=jnp.float32, minval=-0.05, maxval=0.05)
    item_table = jax.random.uniform(k4, (NUM_ITEMS, LATENT_DIM), dtype=jnp.float32, minval=-0.05, maxval=0.05)
    return {"user_ids": user_ids, "item_ids": item_ids, "user_table": user_table, "item_table": item_table}


def reference(user_ids, item_ids, user_table, item_table):
    # user_latent = user_embedding(user_ids)
    user_latent = jnp.take(user_table, user_ids, axis=0)  # [B, D]
    # item_latent = item_embedding(item_ids)
    item_latent = jnp.take(item_table, item_ids, axis=0)  # [B, D]
    # tf.matmul(user_latent, item_latent, transpose_b=True)
    return jnp.matmul(user_latent, item_latent.T)  # [B, B]

if __name__ == "__main__":
    import jax
    _d = setup_inputs()
    print(jax.jit(kernel)(*tuple(_d.values())))

</pallas_src>

<mosaic_0001>
#map = affine_map<(d0, d1) -> (0)>
#map1 = affine_map<(d0, d1) -> (0, 0)>
module attributes {stable_mosaic.version = 14 : i64} {
  func.func @gather(%arg0: i32, %arg1: i32, %arg2: memref<4096xi32, #tpu.memory_space<hbm>>, %arg3: memref<4096xi32, #tpu.memory_space<hbm>>, %arg4: memref<32x1000000xf32, #tpu.memory_space<hbm>>, %arg5: memref<32x100000xf32, #tpu.memory_space<hbm>>, %arg6: memref<4096x32xf32, #tpu.memory_space<hbm>>, %arg7: memref<4096x32xf32, #tpu.memory_space<hbm>>, %arg8: memref<144xi32, #tpu.memory_space<vmem>>, %arg9: memref<128x32xf32, #tpu.memory_space<vmem>>, %arg10: memref<32x128xf32, #tpu.memory_space<vmem>>, %arg11: memref<32x128xf32, #tpu.memory_space<vmem>>, %arg12: memref<32x128xf32, #tpu.memory_space<vmem>>, %arg13: memref<32x128xf32, #tpu.memory_space<vmem>>, %arg14: memref<32x128xf32, #tpu.memory_space<vmem>>, %arg15: memref<32x128xf32, #tpu.memory_space<vmem>>, %arg16: memref<32x128xf32, #tpu.memory_space<vmem>>, %arg17: memref<32x128xf32, #tpu.memory_space<vmem>>, %arg18: memref<!tpu.dma_semaphore, #tpu.memory_space<semaphore_mem>>, %arg19: memref<!tpu.dma_semaphore, #tpu.memory_space<semaphore_mem>>, %arg20: memref<!tpu.dma_semaphore, #tpu.memory_space<semaphore_mem>>, %arg21: memref<!tpu.dma_semaphore, #tpu.memory_space<semaphore_mem>>, %arg22: memref<!tpu.dma_semaphore, #tpu.memory_space<semaphore_mem>>, %arg23: memref<!tpu.dma_semaphore, #tpu.memory_space<semaphore_mem>>, %arg24: memref<!tpu.dma_semaphore, #tpu.memory_space<semaphore_mem>>, %arg25: memref<!tpu.dma_semaphore, #tpu.memory_space<semaphore_mem>>) attributes {dimension_semantics = [#tpu.dimension_semantics<core_parallel>, #tpu.dimension_semantics<subcore_parallel>], iteration_bounds = array<i64: 2, 16>, scalar_prefetch = 0 : i64, scratch_operands = 18 : i64, tpu.core_type = #tpu.core_type<sc_vector_subcore>, window_params = [{transform_indices = #map}, {transform_indices = #map}, {transform_indices = #map1}, {transform_indices = #map1}, {transform_indices = #map1}, {transform_indices = #map1}]} {
    %mul3A = arith.constant 2 : i32
    %mul3A_0 = arith.muli %arg1, %mul3A : i32
    %add3A = arith.addi %mul3A_0, %arg0 : i32
    %mul3A_1 = arith.constant 128 : i32
    %mul3A_2 = arith.muli %add3A, %mul3A_1 : i32
    "tpu.region"() ({
      %run_scoped3A = tpu.sem_alloc : memref<!tpu.dma_semaphore, #tpu.memory_space<semaphore_mem>>
      %dma_start3A_184 = arith.constant 0 : i32
      %dma_start3A_185 = tpu.memref_slice %arg8[%dma_start3A_184] : memref<144xi32, #tpu.memory_space<vmem>> -> memref<128xi32, #tpu.memory_space<vmem>>
      %dma_start3A_186 = tpu.memref_slice %arg2[%mul3A_2] : memref<4096xi32, #tpu.memory_space<hbm>> -> memref<128xi32, #tpu.memory_space<hbm>>
      %dma_start3A_187 = arith.constant 0 : i32
      %dma_start3A_188 = tpu.memref_slice %arg8[%dma_start3A_187] : memref<144xi32, #tpu.memory_space<vmem>> -> memref<128xi32, #tpu.memory_space<vmem>>
      %dma_start3A_189 = tpu.memref_slice %arg2[%mul3A_2] : memref<4096xi32, #tpu.memory_space<hbm>> -> memref<128xi32, #tpu.memory_space<hbm>>
      tpu.enqueue_dma source(%dma_start3A_189 : memref<128xi32, #tpu.memory_space<hbm>>) target(%dma_start3A_188 : memref<128xi32, #tpu.memory_space<vmem>>) target_semaphore(%run_scoped3A : memref<!tpu.dma_semaphore, #tpu.memory_space<semaphore_mem>>)
      %dma_wait3A = arith.constant 0 : i32
      %dma_wait3A_190 = tpu.memref_slice %arg8[%dma_wait3A] : memref<144xi32, #tpu.memory_space<vmem>> -> memref<128xi32, #tpu.memory_space<vmem>>
      %dma_wait3A_191 = tpu.memref_slice %arg2[%mul3A_2] : memref<4096xi32, #tpu.memory_space<hbm>> -> memref<128xi32, #tpu.memory_space<hbm>>
      %dma_wait3A_192 = arith.constant 0 : i32
      %dma_wait3A_193 = tpu.memref_slice %arg8[%dma_wait3A_192] : memref<144xi32, #tpu.memory_space<vmem>> -> memref<128xi32, #tpu.memory_space<vmem>>
      %dma_wait3A_194 = tpu.memref_slice %arg2[%mul3A_2] : memref<4096xi32, #tpu.memory_space<hbm>> -> memref<128xi32, #tpu.memory_space<hbm>>
      tpu.wait_dma2 semaphore(%run_scoped3A : memref<!tpu.dma_semaphore, #tpu.memory_space<semaphore_mem>>) src(%dma_wait3A_194 : memref<128xi32, #tpu.memory_space<hbm>>) dst(%dma_wait3A_193 : memref<128xi32, #tpu.memory_space<vmem>>)
      tpu.yield
    }) : () -> ()
    %get3A = arith.constant 0 : index
    %get3A_3 = tpu.vector_load %arg8[%get3A] {strides = array<i32>} : memref<144xi32, #tpu.memory_space<vmem>>, vector<16xi32>,
    %slice3A = vector.extract_strided_slice %get3A_3 {offsets = [0], sizes = [1], strides = [1]} : vector<16xi32> to vector<1xi32>
    %squeeze3A = vector.extract %slice3A[0] : i32 from vector<1xi32>
    %and3A = arith.constant -128 : i32
    %and3A_4 = arith.andi %squeeze3A, %and3A : i32
    %multiple_of3A = tpu.assume_multiple %and3A_4, 128 : i32
    %dma_start3A = arith.constant 0 : i32
    %dma_start3A_5 = tpu.memref_slice %arg4[%dma_start3A, %multiple_of3A] : memref<32x1000000xf32, #tpu.memory_space<hbm>> -> memref<32x128xf32, #tpu.memory_space<hbm>>
    %dma_start3A_6 = arith.constant 0 : i32
    %dma_start3A_7 = tpu.memref_slice %arg4[%dma_start3A_6, %multiple_of3A] : memref<32x1000000xf32, #tpu.memory_space<hbm>> -> memref<32x128xf32, #tpu.memory_space<hbm>>
    tpu.enqueue_dma source(%dma_start3A_7 : memref<32x128xf32, #tpu.memory_space<hbm>>) target(%arg10 : memref<32x128xf32, #tpu.memory_space<vmem>>) target_semaphore(%arg18 : memref<!tpu.dma_semaphore, #tpu.memory_space<semaphore_mem>>)
    %get3A_8 = arith.constant 1 : index
    %get3A_9 = tpu.vector_load %arg8[%get3A_8] {strides = array<i32>} : memref<144xi32, #tpu.memory_space<vmem>>, vector<16xi32>,
    %slice3A_10 = vector.extract_strided_slice %get3A_9 {offsets = [0], sizes = [1], strides = [1]} : vector<16xi32> to vector<1xi32>
    %squeeze3A_11 = vector.extract %slice3A_10[0] : i32 from vector<1xi32>
    %and3A_12 = arith.constant -128 : i32
    %and3A_13 = arith.andi %squeeze3A_11, %and3A_12 : i32
    %multiple_of3A_14 = tpu.assume_multiple %and3A_13, 128 : i32
    %dma_start3A_15 = arith.constant 0 : i32
    %dma_start3A_16 = tpu.memref_slice %arg4[%dma_start3A_15, %multiple_of3A_14] : memref<32x1000000xf32, #tpu.memory_space<hbm>> -> memref<32x128xf32, #tpu.memory_space<hbm>>
    %dma_start3A_17 = arith.constant 0 : i32
    %dma_start3A_18 = tpu.memref_slice %arg4[%dma_start3A_17, %multiple_of3A_14] : memref<32x1000000xf32, #tpu.memory_space<hbm>> -> memref<32x128xf32, #tpu.memory_space<hbm>>
    tpu.enqueue_dma source(%dma_start3A_18 : memref<32x128xf32, #tpu.memory_space<hbm>>) target(%arg11 : memref<32x128xf32, #tpu.memory_space<vmem>>) target_semaphore(%arg19 : memref<!tpu.dma_semaphore, #tpu.memory_space<semaphore_mem>>)
    %get3A_19 = arith.constant 2 : index
    %get3A_20 = tpu.vector_load %arg8[%get3A_19] {strides = array<i32>} : memref<144xi32, #tpu.memory_space<vmem>>, vector<16xi32>,
    %slice3A_21 = vector.extract_strided_slice %get3A_20 {offsets = [0], sizes = [1], strides = [1]} : vector<16xi32> to vector<1xi32>
    %squeeze3A_22 = vector.extract %slice3A_21[0] : i32 from vector<1xi32>
    %and3A_23 = arith.constant -128 : i32
    %and3A_24 = arith.andi %squeeze3A_22, %and3A_23 : i32
    %multiple_of3A_25 = tpu.assume_multiple %and3A_24, 128 : i32
    %dma_start3A_26 = arith.constant 0 : i32
    %dma_start3A_27 = tpu.memref_slice %arg4[%dma_start3A_26, %multiple_of3A_25] : memref<32x1000000xf32, #tpu.memory_space<hbm>> -> memref<32x128xf32, #tpu.memory_space<hbm>>
    %dma_start3A_28 = arith.constant 0 : i32
    %dma_start3A_29 = tpu.memref_slice %arg4[%dma_start3A_28, %multiple_of3A_25] : memref<32x1000000xf32, #tpu.memory_space<hbm>> -> memref<32x128xf32, #tpu.memory_space<hbm>>
    tpu.enqueue_dma source(%dma_start3A_29 : memref<32x128xf32, #tpu.memory_space<hbm>>) target(%arg12 : memref<32x128xf32, #tpu.memory_space<vmem>>) target_semaphore(%arg20 : memref<!tpu.dma_semaphore, #tpu.memory_space<semaphore_mem>>)
    %get3A_30 = arith.constant 3 : index
    %get3A_31 = tpu.vector_load %arg8[%get3A_30] {strides = array<i32>} : memref<144xi32, #tpu.memory_space<vmem>>, vector<16xi32>,
    %slice3A_32 = vector.extract_strided_slice %get3A_31 {offsets = [0], sizes = [1], strides = [1]} : vector<16xi32> to vector<1xi32>
    %squeeze3A_33 = vector.extract %slice3A_32[0] : i32 from vector<1xi32>
    %and3A_34 = arith.constant -128 : i32
    %and3A_35 = arith.andi %squeeze3A_33, %and3A_34 : i32
    %multiple_of3A_36 = tpu.assume_multiple %and3A_35, 128 : i32
    %dma_start3A_37 = arith.constant 0 : i32
    %dma_start3A_38 = tpu.memref_slice %arg4[%dma_start3A_37, %multiple_of3A_36] : memref<32x1000000xf32, #tpu.memory_space<hbm>> -> memref<32x128xf32, #tpu.memory_space<hbm>>
    %dma_start3A_39 = arith.constant 0 : i32
    %dma_start3A_40 = tpu.memref_slice %arg4[%dma_start3A_39, %multiple_of3A_36] : memref<32x1000000xf32, #tpu.memory_space<hbm>> -> memref<32x128xf32, #tpu.memory_space<hbm>>
    tpu.enqueue_dma source(%dma_start3A_40 : memref<32x128xf32, #tpu.memory_space<hbm>>) target(%arg13 : memref<32x128xf32, #tpu.memory_space<vmem>>) target_semaphore(%arg21 : memref<!tpu.dma_semaphore, #tpu.memory_space<semaphore_mem>>)
    %get3A_41 = arith.constant 4 : index
    %get3A_42 = tpu.vector_load %arg8[%get3A_41] {strides = array<i32>} : memref<144xi32, #tpu.memory_space<vmem>>, vector<16xi32>,
    %slice3A_43 = vector.extract_strided_slice %get3A_42 {offsets = [0], sizes = [1], strides = [1]} : vector<16xi32> to vector<1xi32>
    %squeeze3A_44 = vector.extract %slice3A_43[0] : i32 from vector<1xi32>
    %and3A_45 = arith.constant -128 : i32
    %and3A_46 = arith.andi %squeeze3A_44, %and3A_45 : i32
    %multiple_of3A_47 = tpu.assume_multiple %and3A_46, 128 : i32
    %dma_start3A_48 = arith.constant 0 : i32
    %dma_start3A_49 = tpu.memref_slice %arg4[%dma_start3A_48, %multiple_of3A_47] : memref<32x1000000xf32, #tpu.memory_space<hbm>> -> memref<32x128xf32, #tpu.memory_space<hbm>>
    %dma_start3A_50 = arith.constant 0 : i32
    %dma_start3A_51 = tpu.memref_slice %arg4[%dma_start3A_50, %multiple_of3A_47] : memref<32x1000000xf32, #tpu.memory_space<hbm>> -> memref<32x128xf32, #tpu.memory_space<hbm>>
    tpu.enqueue_dma source(%dma_start3A_51 : memref<32x128xf32, #tpu.memory_space<hbm>>) target(%arg14 : memref<32x128xf32, #tpu.memory_space<vmem>>) target_semaphore(%arg22 : memref<!tpu.dma_semaphore, #tpu.memory_space<semaphore_mem>>)
    %get3A_52 = arith.constant 5 : index
    %get3A_53 = tpu.vector_load %arg8[%get3A_52] {strides = array<i32>} : memref<144xi32, #tpu.memory_space<vmem>>, vector<16xi32>,
    %slice3A_54 = vector.extract_strided_slice %get3A_53 {offsets = [0], sizes = [1], strides = [1]} : vector<16xi32> to vector<1xi32>
    %squeeze3A_55 = vector.extract %slice3A_54[0] : i32 from vector<1xi32>
    %and3A_56 = arith.constant -128 : i32
    %and3A_57 = arith.andi %squeeze3A_55, %and3A_56 : i32
    %multiple_of3A_58 = tpu.assume_multiple %and3A_57, 128 : i32
    %dma_start3A_59 = arith.constant 0 : i32
    %dma_start3A_60 = tpu.memref_slice %arg4[%dma_start3A_59, %multiple_of3A_58] : memref<32x1000000xf32, #tpu.memory_space<hbm>> -> memref<32x128xf32, #tpu.memory_space<hbm>>
    %dma_start3A_61 = arith.constant 0 : i32
    %dma_start3A_62 = tpu.memref_slice %arg4[%dma_start3A_61, %multiple_of3A_58] : memref<32x1000000xf32, #tpu.memory_space<hbm>> -> memref<32x128xf32, #tpu.memory_space<hbm>>
    tpu.enqueue_dma source(%dma_start3A_62 : memref<32x128xf32, #tpu.memory_space<hbm>>) target(%arg15 : memref<32x128xf32, #tpu.memory_space<vmem>>) target_semaphore(%arg23 : memref<!tpu.dma_semaphore, #tpu.memory_space<semaphore_mem>>)
    %get3A_63 = arith.constant 6 : index
    %get3A_64 = tpu.vector_load %arg8[%get3A_63] {strides = array<i32>} : memref<144xi32, #tpu.memory_space<vmem>>, vector<16xi32>,
    %slice3A_65 = vector.extract_strided_slice %get3A_64 {offsets = [0], sizes = [1], strides = [1]} : vector<16xi32> to vector<1xi32>
    %squeeze3A_66 = vector.extract %slice3A_65[0] : i32 from vector<1xi32>
    %and3A_67 = arith.constant -128 : i32
    %and3A_68 = arith.andi %squeeze3A_66, %and3A_67 : i32
    %multiple_of3A_69 = tpu.assume_multiple %and3A_68, 128 : i32
    %dma_start3A_70 = arith.constant 0 : i32
    %dma_start3A_71 = tpu.memref_slice %arg4[%dma_start3A_70, %multiple_of3A_69] : memref<32x1000000xf32, #tpu.memory_space<hbm>> -> memref<32x128xf32, #tpu.memory_space<hbm>>
    %dma_start3A_72 = arith.constant 0 : i32
    %dma_start3A_73 = tpu.memref_slice %arg4[%dma_start3A_72, %multiple_of3A_69] : memref<32x1000000xf32, #tpu.memory_space<hbm>> -> memref<32x128xf32, #tpu.memory_space<hbm>>
    tpu.enqueue_dma source(%dma_start3A_73 : memref<32x128xf32, #tpu.memory_space<hbm>>) target(%arg16 : memref<32x128xf32, #tpu.memory_space<vmem>>) target_semaphore(%arg24 : memref<!tpu.dma_semaphore, #tpu.memory_space<semaphore_mem>>)
    %get3A_74 = arith.constant 7 : index
    %get3A_75 = tpu.vector_load %arg8[%get3A_74] {strides = array<i32>} : memref<144xi32, #tpu.memory_space<vmem>>, vector<16xi32>,
    %slice3A_76 = vector.extract_strided_slice %get3A_75 {offsets = [0], sizes = [1], strides = [1]} : vector<16xi32> to vector<1xi32>
    %squeeze3A_77 = vector.extract %slice3A_76[0] : i32 from vector<1xi32>
    %and3A_78 = arith.constant -128 : i32
    %and3A_79 = arith.andi %squeeze3A_77, %and3A_78 : i32
    %multiple_of3A_80 = tpu.assume_multiple %and3A_79, 128 : i32
    %dma_start3A_81 = arith.constant 0 : i32
    %dma_start3A_82 = tpu.memref_slice %arg4[%dma_start3A_81, %multiple_of3A_80] : memref<32x1000000xf32, #tpu.memory_space<hbm>> -> memref<32x128xf32, #tpu.memory_space<hbm>>
    %dma_start3A_83 = arith.constant 0 : i32
    %dma_start3A_84 = tpu.memref_slice %arg4[%dma_start3A_83, %multiple_of3A_80] : memref<32x1000000xf32, #tpu.memory_space<hbm>> -> memref<32x128xf32, #tpu.memory_space<hbm>>
    tpu.enqueue_dma source(%dma_start3A_84 : memref<32x128xf32, #tpu.memory_space<hbm>>) target(%arg17 : memref<32x128xf32, #tpu.memory_space<vmem>>) target_semaphore(%arg25 : memref<!tpu.dma_semaphore, #tpu.memory_space<semaphore_mem>>)
    %scan3A = arith.constant 0 : i32
    %scan3A_85 = arith.constant 0 : i32
    %scan3A_86 = arith.constant 16 : i32
    %scan3A_87 = arith.addi %scan3A_85, %scan3A_86 : i32
    %scan3A_88 = arith.constant 1 : i32
    scf.for %scan3A_184 = %scan3A_85 to %scan3A_87 step %scan3A_88  : i32 {
      %mul3A_185 = arith.constant 8 : i32
      %mul3A_186 = arith.muli %scan3A_184, %mul3A_185 : i32
      %add3A_187 = arith.constant 0 : i32
      %add3A_188 = arith.addi %mul3A_186, %add3A_187 : i32
      %get3A_189 = arith.index_cast %add3A_188 : i32 to index
      %get3A_190 = tpu.vector_load %arg8[%get3A_189] {strides = array<i32>} : memref<144xi32, #tpu.memory_space<vmem>>, vector<16xi32>,
      %slice3A_191 = vector.extract_strided_slice %get3A_190 {offsets = [0], sizes = [1], strides = [1]} : vector<16xi32> to vector<1xi32>
      %squeeze3A_192 = vector.extract %slice3A_191[0] : i32 from vector<1xi32>
      %and3A_193 = arith.constant 127 : i32
      %and3A_194 = arith.andi %squeeze3A_192, %and3A_193 : i32
      %broadcast_in_dim3A = vector.broadcast %and3A_194 : i32 to vector<16xi32>
      %iota3A = tpu.iota {dimensions = array<i32: 0>} : vector<16xi32>
      %dma_wait3A = arith.constant 0 : i32
      %dma_wait3A_195 = arith.constant 0 : i32
      %dma_wait3A_196 = tpu.memref_slice %arg4[%dma_wait3A, %dma_wait3A_195] : memref<32x1000000xf32, #tpu.memory_space<hbm>> -> memref<32x128xf32, #tpu.memory_space<hbm>>
      %dma_wait3A_197 = arith.constant 0 : i32
      %dma_wait3A_198 = arith.constant 0 : i32
      %dma_wait3A_199 = tpu.memref_slice %arg4[%dma_wait3A_197, %dma_wait3A_198] : memref<32x1000000xf32, #tpu.memory_space<hbm>> -> memref<32x128xf32, #tpu.memory_space<hbm>>
      tpu.wait_dma2 semaphore(%arg18 : memref<!tpu.dma_semaphore, #tpu.memory_space<semaphore_mem>>) src(%dma_wait3A_199 : memref<32x128xf32, #tpu.memory_space<hbm>>) dst(%arg10 : memref<32x128xf32, #tpu.memory_space<vmem>>)
      %gather3A = tpu.vector_load_idx %arg10[%iota3A, %broadcast_in_dim3A] : memref<32x128xf32, #tpu.memory_space<vmem>>[vector<16xi32>, vector<16xi32>], vector<16xf32>,
      %add3A_200 = arith.constant 16 : i32
      %add3A_201 = vector.broadcast %add3A_200 : i32 to vector<16xi32>
      %add3A_202 = arith.addi %iota3A, %add3A_201 : vector<16xi32>
      %gather3A_203 = tpu.vector_load_idx %arg10[%add3A_202, %broadcast_in_dim3A] : memref<32x128xf32, #tpu.memory_space<vmem>>[vector<16xi32>, vector<16xi32>], vector<16xf32>,
      %swap3A = arith.index_cast %add3A_188 : i32 to index
      %swap3A_204 = arith.constant 0 : index
      %swap3A_205 = tpu.vector_load %arg9[%swap3A, %swap3A_204] {strides = array<i32>} : memref<128x32xf32, #tpu.memory_space<vmem>>, vector<16xf32>,
      tpu.vector_store %arg9[%swap3A, %swap3A_204], %gather3A {strides = array<i32>} : memref<128x32xf32, #tpu.memory_space<vmem>>, vector<16xf32>,
      %swap3A_206 = arith.index_cast %add3A_188 : i32 to index
      %swap3A_207 = arith.constant 16 : index
      %swap3A_208 = tpu.vector_load %arg9[%swap3A_206, %swap3A_207] {strides = array<i32>} : memref<128x32xf32, #tpu.memory_space<vmem>>, vector<16xf32>,
      tpu.vector_store %arg9[%swap3A_206, %swap3A_207], %gather3A_203 {strides = array<i32>} : memref<128x32xf32, #tpu.memory_space<vmem>>, vector<16xf32>,
      %add3A_209 = arith.constant 8 : i32
      %add3A_210 = arith.addi %add3A_188, %add3A_209 : i32
      %lt3A = arith.constant 128 : i32
      %lt3A_211 = arith.cmpi slt, %add3A_210, %lt3A : i32
      %convert_element_type3A = arith.extui %lt3A_211 : i1 to i32
      %cond3A = arith.constant 0 : i32
      %cond3A_212 = arith.cmpi ne, %convert_element_type3A, %cond3A : i32
      scf.if %cond3A_212 {
        %get3A_465 = arith.index_cast %add3A_210 : i32 to index
        %get3A_466 = tpu.vector_load %arg8[%get3A_465] {strides = array<i32>} : memref<144xi32, #tpu.memory_space<vmem>>, vector<16xi32>,
        %slice3A_467 = vector.extract_strided_slice %get3A_466 {offsets = [0], sizes = [1], strides = [1]} : vector<16xi32> to vector<1xi32>
        %squeeze3A_468 = vector.extract %slice3A_467[0] : i32 from vector<1xi32>
        %and3A_469 = arith.constant -128 : i32
        %and3A_470 = arith.andi %squeeze3A_468, %and3A_469 : i32
        %multiple_of3A_471 = tpu.assume_multiple %and3A_470, 128 : i32
        %dma_start3A_472 = arith.constant 0 : i32
        %dma_start3A_473 = tpu.memref_slice %arg4[%dma_start3A_472, %multiple_of3A_471] : memref<32x1000000xf32, #tpu.memory_space<hbm>> -> memref<32x128xf32, #tpu.memory_space<hbm>>
        %dma_start3A_474 = arith.constant 0 : i32
        %dma_start3A_475 = tpu.memref_slice %arg4[%dma_start3A_474, %multiple_of3A_471] : memref<32x1000000xf32, #tpu.memory_space<hbm>> -> memref<32x128xf32, #tpu.memory_space<hbm>>
        tpu.enqueue_dma source(%dma_start3A_475 : memref<32x128xf32, #tpu.memory_space<hbm>>) target(%arg10 : memref<32x128xf32, #tpu.memory_space<vmem>>) target_semaphore(%arg18 : memref<!tpu.dma_semaphore, #tpu.memory_space<semaphore_mem>>)
      } else {
      }
      %mul3A_213 = arith.constant 8 : i32
      %mul3A_214 = arith.muli %scan3A_184, %mul3A_213 : i32
      %add3A_215 = arith.constant 1 : i32
      %add3A_216 = arith.addi %mul3A_214, %add3A_215 : i32
      %get3A_217 = arith.index_cast %add3A_216 : i32 to index
      %get3A_218 = tpu.vector_load %arg8[%get3A_217] {strides = array<i32>} : memref<144xi32, #tpu.memory_space<vmem>>, vector<16xi32>,
      %slice3A_219 = vector.extract_strided_slice %get3A_218 {offsets = [0], sizes = [1], strides = [1]} : vector<16xi32> to vector<1xi32>
      %squeeze3A_220 = vector.extract %slice3A_219[0] : i32 from vector<1xi32>
      %and3A_221 = arith.constant 127 : i32
      %and3A_222 = arith.andi %squeeze3A_220, %and3A_221 : i32
      %broadcast_in_dim3A_223 = vector.broadcast %and3A_222 : i32 to vector<16xi32>
      %iota3A_224 = tpu.iota {dimensions = array<i32: 0>} : vector<16xi32>
      %dma_wait3A_225 = arith.constant 0 : i32
      %dma_wait3A_226 = arith.constant 0 : i32
      %dma_wait3A_227 = tpu.memref_slice %arg4[%dma_wait3A_225, %dma_wait3A_226] : memref<32x1000000xf32, #tpu.memory_space<hbm>> -> memref<32x128xf32, #tpu.memory_space<hbm>>
      %dma_wait3A_228 = arith.constant 0 : i32
      %dma_wait3A_229 = arith.constant 0 : i32
      %dma_wait3A_230 = tpu.memref_slice %arg4[%dma_wait3A_228, %dma_wait3A_229] : memref<32x1000000xf32, #tpu.memory_space<hbm>> -> memref<32x128xf32, #tpu.memory_space<hbm>>
      tpu.wait_dma2 semaphore(%arg19 : memref<!tpu.dma_semaphore, #tpu.memory_space<semaphore_mem>>) src(%dma_wait3A_230 : memref<32x128xf32, #tpu.memory_space<hbm>>) dst(%arg11 : memref<32x128xf32, #tpu.memory_space<vmem>>)
      %gather3A_231 = tpu.vector_load_idx %arg11[%iota3A_224, %broadcast_in_dim3A_223] : memref<32x128xf32, #tpu.memory_space<vmem>>[vector<16xi32>, vector<16xi32>], vector<16xf32>,
      %add3A_232 = arith.constant 16 : i32
      %add3A_233 = vector.broadcast %add3A_232 : i32 to vector<16xi32>
      %add3A_234 = arith.addi %iota3A_224, %add3A_233 : vector<16xi32>
      %gather3A_235 = tpu.vector_load_idx %arg11[%add3A_234, %broadcast_in_dim3A_223] : memref<32x128xf32, #tpu.memory_space<vmem>>[vector<16xi32>, vector<16xi32>], vector<16xf32>,
      %swap3A_236 = arith.index_cast %add3A_216 : i32 to index
      %swap3A_237 = arith.constant 0 : index
      %swap3A_238 = tpu.vector_load %arg9[%swap3A_236, %swap3A_237] {strides = array<i32>} : memref<128x32xf32, #tpu.memory_space<vmem>>, vector<16xf32>,
      tpu.vector_store %arg9[%swap3A_236, %swap3A_237], %gather3A_231 {strides = array<i32>} : memref<128x32xf32, #tpu.memory_space<vmem>>, vector<16xf32>,
      %swap3A_239 = arith.index_cast %add3A_216 : i32 to index
      %swap3A_240 = arith.constant 16 : index
      %swap3A_241 = tpu.vector_load %arg9[%swap3A_239, %swap3A_240] {strides = array<i32>} : memref<128x32xf32, #tpu.memory_space<vmem>>, vector<16xf32>,
      tpu.vector_store %arg9[%swap3A_239, %swap3A_240], %gather3A_235 {strides = array<i32>} : memref<128x32xf32, #tpu.memory_space<vmem>>, vector<16xf32>,
      %add3A_242 = arith.constant 8 : i32
      %add3A_243 = arith.addi %add3A_216, %add3A_242 : i32
      %lt3A_244 = arith.constant 128 : i32
      %lt3A_245 = arith.cmpi slt, %add3A_243, %lt3A_244 : i32
      %convert_element_type3A_246 = arith.extui %lt3A_245 : i1 to i32
      %cond3A_247 = arith.constant 0 : i32
      %cond3A_248 = arith.cmpi ne, %convert_element_type3A_246, %cond3A_247 : i32
      scf.if %cond3A_248 {
        %get3A_465 = arith.index_cast %add3A_243 : i32 to index
        %get3A_466 = tpu.vector_load %arg8[%get3A_465] {strides = array<i32>} : memref<144xi32, #tpu.memory_space<vmem>>, vector<16xi32>,
        %slice3A_467 = vector.extract_strided_slice %get3A_466 {offsets = [0], sizes = [1], strides = [1]} : vector<16xi32> to vector<1xi32>
        %squeeze3A_468 = vector.extract %slice3A_467[0] : i32 from vector<1xi32>
        %and3A_469 = arith.constant -128 : i32
        %and3A_470 = arith.andi %squeeze3A_468, %and3A_469 : i32
        %multiple_of3A_471 = tpu.assume_multiple %and3A_470, 128 : i32
        %dma_start3A_472 = arith.constant 0 : i32
        %dma_start3A_473 = tpu.memref_slice %arg4[%dma_start3A_472, %multiple_of3A_471] : memref<32x1000000xf32, #tpu.memory_space<hbm>> -> memref<32x128xf32, #tpu.memory_space<hbm>>
        %dma_start3A_474 = arith.constant 0 : i32
        %dma_start3A_475 = tpu.memref_slice %arg4[%dma_start3A_474, %multiple_of3A_471] : memref<32x1000000xf32, #tpu.memory_space<hbm>> -> memref<32x128xf32, #tpu.memory_space<hbm>>
        tpu.enqueue_dma source(%dma_start3A_475 : memref<32x128xf32, #tpu.memory_space<hbm>>) target(%arg11 : memref<32x128xf32, #tpu.memory_space<vmem>>) target_semaphore(%arg19 : memref<!tpu.dma_semaphore, #tpu.memory_space<semaphore_mem>>)
      } else {
      }
      %mul3A_249 = arith.constant 8 : i32
      %mul3A_250 = arith.muli %scan3A_184, %mul3A_249 : i32
      %add3A_251 = arith.constant 2 : i32
      %add3A_252 = arith.addi %mul3A_250, %add3A_251 : i32
      %get3A_253 = arith.index_cast %add3A_252 : i32 to index
      %get3A_254 = tpu.vector_load %arg8[%get3A_253] {strides = array<i32>} : memref<144xi32, #tpu.memory_space<vmem>>, vector<16xi32>,
      %slice3A_255 = vector.extract_strided_slice %get3A_254 {offsets = [0], sizes = [1], strides = [1]} : vector<16xi32> to vector<1xi32>
      %squeeze3A_256 = vector.extract %slice3A_255[0] : i32 from vector<1xi32>
      %and3A_257 = arith.constant 127 : i32
      %and3A_258 = arith.andi %squeeze3A_256, %and3A_257 : i32
      %broadcast_in_dim3A_259 = vector.broadcast %and3A_258 : i32 to vector<16xi32>
      %iota3A_260 = tpu.iota {dimensions = array<i32: 0>} : vector<16xi32>
      %dma_wait3A_261 = arith.constant 0 : i32
      %dma_wait3A_262 = arith.constant 0 : i32
      %dma_wait3A_263 = tpu.memref_slice %arg4[%dma_wait3A_261, %dma_wait3A_262] : memref<32x1000000xf32, #tpu.memory_space<hbm>> -> memref<32x128xf32, #tpu.memory_space<hbm>>
      %dma_wait3A_264 = arith.constant 0 : i32
      %dma_wait3A_265 = arith.constant 0 : i32
      %dma_wait3A_266 = tpu.memref_slice %arg4[%dma_wait3A_264, %dma_wait3A_265] : memref<32x1000000xf32, #tpu.memory_space<hbm>> -> memref<32x128xf32, #tpu.memory_space<hbm>>
      tpu.wait_dma2 semaphore(%arg20 : memref<!tpu.dma_semaphore, #tpu.memory_space<semaphore_mem>>) src(%dma_wait3A_266 : memref<32x128xf32, #tpu.memory_space<hbm>>) dst(%arg12 : memref<32x128xf32, #tpu.memory_space<vmem>>)
      %gather3A_267 = tpu.vector_load_idx %arg12[%iota3A_260, %broadcast_in_dim3A_259] : memref<32x128xf32, #tpu.memory_space<vmem>>[vector<16xi32>, vector<16xi32>], vector<16xf32>,
      %add3A_268 = arith.constant 16 : i32
      %add3A_269 = vector.broadcast %add3A_268 : i32 to vector<16xi32>
      %add3A_270 = arith.addi %iota3A_260, %add3A_269 : vector<16xi32>
      %gather3A_271 = tpu.vector_load_idx %arg12[%add3A_270, %broadcast_in_dim3A_259] : memref<32x128xf32, #tpu.memory_space<vmem>>[vector<16xi32>, vector<16xi32>], vector<16xf32>,
      %swap3A_272 = arith.index_cast %add3A_252 : i32 to index
      %swap3A_273 = arith.constant 0 : index
      %swap3A_274 = tpu.vector_load %arg9[%swap3A_272, %swap3A_273] {strides = array<i32>} : memref<128x32xf32, #tpu.memory_space<vmem>>, vector<16xf32>,
      tpu.vector_store %arg9[%swap3A_272, %swap3A_273], %gather3A_267 {strides = array<i32>} : memref<128x32xf32, #tpu.memory_space<vmem>>, vector<16xf32>,
      %swap3A_275 = arith.index_cast %add3A_252 : i32 to index
      %swap3A_276 = arith.constant 16 : index
      %swap3A_277 = tpu.vector_load %arg9[%swap3A_275, %swap3A_276] {strides = array<i32>} : memref<128x32xf32, #tpu.memory_space<vmem>>, vector<16xf32>,
      tpu.vector_store %arg9[%swap3A_275, %swap3A_276], %gather3A_271 {strides = array<i32>} : memref<128x32xf32, #tpu.memory_space<vmem>>, vector<16xf32>,
      %add3A_278 = arith.constant 8 : i32
      %add3A_279 = arith.addi %add3A_252, %add3A_278 : i32
      %lt3A_280 = arith.constant 128 : i32
      %lt3A_281 = arith.cmpi slt, %add3A_279, %lt3A_280 : i32
      %convert_element_type3A_282 = arith.extui %lt3A_281 : i1 to i32
      %cond3A_283 = arith.constant 0 : i32
      %cond3A_284 = arith.cmpi ne, %convert_element_type3A_282, %cond3A_283 : i32
      scf.if %cond3A_284 {
        %get3A_465 = arith.index_cast %add3A_279 : i32 to index
        %get3A_466 = tpu.vector_load %arg8[%get3A_465] {strides = array<i32>} : memref<144xi32, #tpu.memory_space<vmem>>, vector<16xi32>,
        %slice3A_467 = vector.extract_strided_slice %get3A_466 {offsets = [0], sizes = [1], strides = [1]} : vector<16xi32> to vector<1xi32>
        %squeeze3A_468 = vector.extract %slice3A_467[0] : i32 from vector<1xi32>
        %and3A_469 = arith.constant -128 : i32
        %and3A_470 = arith.andi %squeeze3A_468, %and3A_469 : i32
        %multiple_of3A_471 = tpu.assume_multiple %and3A_470, 128 : i32
        %dma_start3A_472 = arith.constant 0 : i32
        %dma_start3A_473 = tpu.memref_slice %arg4[%dma_start3A_472, %multiple_of3A_471] : memref<32x1000000xf32, #tpu.memory_space<hbm>> -> memref<32x128xf32, #tpu.memory_space<hbm>>
        %dma_start3A_474 = arith.constant 0 : i32
        %dma_start3A_475 = tpu.memref_slice %arg4[%dma_start3A_474, %multiple_of3A_471] : memref<32x1000000xf32, #tpu.memory_space<hbm>> -> memref<32x128xf32, #tpu.memory_space<hbm>>
        tpu.enqueue_dma source(%dma_start3A_475 : memref<32x128xf32, #tpu.memory_space<hbm>>) target(%arg12 : memref<32x128xf32, #tpu.memory_space<vmem>>) target_semaphore(%arg20 : memref<!tpu.dma_semaphore, #tpu.memory_space<semaphore_mem>>)
      } else {
      }
      %mul3A_285 = arith.constant 8 : i32
      %mul3A_286 = arith.muli %scan3A_184, %mul3A_285 : i32
      %add3A_287 = arith.constant 3 : i32
      %add3A_288 = arith.addi %mul3A_286, %add3A_287 : i32
      %get3A_289 = arith.index_cast %add3A_288 : i32 to index
      %get3A_290 = tpu.vector_load %arg8[%get3A_289] {strides = array<i32>} : memref<144xi32, #tpu.memory_space<vmem>>, vector<16xi32>,
      %slice3A_291 = vector.extract_strided_slice %get3A_290 {offsets = [0], sizes = [1], strides = [1]} : vector<16xi32> to vector<1xi32>
      %squeeze3A_292 = vector.extract %slice3A_291[0] : i32 from vector<1xi32>
      %and3A_293 = arith.constant 127 : i32
      %and3A_294 = arith.andi %squeeze3A_292, %and3A_293 : i32
      %broadcast_in_dim3A_295 = vector.broadcast %and3A_294 : i32 to vector<16xi32>
      %iota3A_296 = tpu.iota {dimensions = array<i32: 0>} : vector<16xi32>
      %dma_wait3A_297 = arith.constant 0 : i32
      %dma_wait3A_298 = arith.constant 0 : i32
      %dma_wait3A_299 = tpu.memref_slice %arg4[%dma_wait3A_297, %dma_wait3A_298] : memref<32x1000000xf32, #tpu.memory_space<hbm>> -> memref<32x128xf32, #tpu.memory_space<hbm>>
      %dma_wait3A_300 = arith.constant 0 : i32
      %dma_wait3A_301 = arith.constant 0 : i32
      %dma_wait3A_302 = tpu.memref_slice %arg4[%dma_wait3A_300, %dma_wait3A_301] : memref<32x1000000xf32, #tpu.memory_space<hbm>> -> memref<32x128xf32, #tpu.memory_space<hbm>>
      tpu.wait_dma2 semaphore(%arg21 : memref<!tpu.dma_semaphore, #tpu.memory_space<semaphore_mem>>) src(%dma_wait3A_302 : memref<32x128xf32, #tpu.memory_space<hbm>>) dst(%arg13 : memref<32x128xf32, #tpu.memory_space<vmem>>)
      %gather3A_303 = tpu.vector_load_idx %arg13[%iota3A_296, %broadcast_in_dim3A_295] : memref<32x128xf32, #tpu.memory_space<vmem>>[vector<16xi32>, vector<16xi32>], vector<16xf32>,
      %add3A_304 = arith.constant 16 : i32
      %add3A_305 = vector.broadcast %add3A_304 : i32 to vector<16xi32>
      %add3A_306 = arith.addi %iota3A_296, %add3A_305 : vector<16xi32>
      %gather3A_307 = tpu.vector_load_idx %arg13[%add3A_306, %broadcast_in_dim3A_295] : memref<32x128xf32, #tpu.memory_space<vmem>>[vector<16xi32>, vector<16xi32>], vector<16xf32>,
      %swap3A_308 = arith.index_cast %add3A_288 : i32 to index
      %swap3A_309 = arith.constant 0 : index
      %swap3A_310 = tpu.vector_load %arg9[%swap3A_308, %swap3A_309] {strides = array<i32>} : memref<128x32xf32, #tpu.memory_space<vmem>>, vector<16xf32>,
      tpu.vector_store %arg9[%swap3A_308, %swap3A_309], %gather3A_303 {strides = array<i32>} : memref<128x32xf32, #tpu.memory_space<vmem>>, vector<16xf32>,
      %swap3A_311 = arith.index_cast %add3A_288 : i32 to index
      %swap3A_312 = arith.constant 16 : index
      %swap3A_313 = tpu.vector_load %arg9[%swap3A_311, %swap3A_312] {strides = array<i32>} : memref<128x32xf32, #tpu.memory_space<vmem>>, vector<16xf32>,
      tpu.vector_store %arg9[%swap3A_311, %swap3A_312], %gather3A_307 {strides = array<i32>} : memref<128x32xf32, #tpu.memory_space<vmem>>, vector<16xf32>,
      %add3A_314 = arith.constant 8 : i32
      %add3A_315 = arith.addi %add3A_288, %add3A_314 : i32
      %lt3A_316 = arith.constant 128 : i32
      %lt3A_317 = arith.cmpi slt, %add3A_315, %lt3A_316 : i32
      %convert_element_type3A_318 = arith.extui %lt3A_317 : i1 to i32
      %cond3A_319 = arith.constant 0 : i32
      %cond3A_320 = arith.cmpi ne, %convert_element_type3A_318, %cond3A_319 : i32
      scf.if %cond3A_320 {
        %get3A_465 = arith.index_cast %add3A_315 : i32 to index
        %get3A_466 = tpu.vector_load %arg8[%get3A_465] {strides = array<i32>} : memref<144xi32, #tpu.memory_space<vmem>>, vector<16xi32>,
        %slice3A_467 = vector.extract_strided_slice %get3A_466 {offsets = [0], sizes = [1], strides = [1]} : vector<16xi32> to vector<1xi32>
        %squeeze3A_468 = vector.extract %slice3A_467[0] : i32 from vector<1xi32>
        %and3A_469 = arith.constant -128 : i32
        %and3A_470 = arith.andi %squeeze3A_468, %and3A_469 : i32
        %multiple_of3A_471 = tpu.assume_multiple %and3A_470, 128 : i32
        %dma_start3A_472 = arith.constant 0 : i32
        %dma_start3A_473 = tpu.memref_slice %arg4[%dma_start3A_472, %multiple_of3A_471] : memref<32x1000000xf32, #tpu.memory_space<hbm>> -> memref<32x128xf32, #tpu.memory_space<hbm>>
        %dma_start3A_474 = arith.constant 0 : i32
        %dma_start3A_475 = tpu.memref_slice %arg4[%dma_start3A_474, %multiple_of3A_471] : memref<32x1000000xf32, #tpu.memory_space<hbm>> -> memref<32x128xf32, #tpu.memory_space<hbm>>
        tpu.enqueue_dma source(%dma_start3A_475 : memref<32x128xf32, #tpu.memory_space<hbm>>) target(%arg13 : memref<32x128xf32, #tpu.memory_space<vmem>>) target_semaphore(%arg21 : memref<!tpu.dma_semaphore, #tpu.memory_space<semaphore_mem>>)
      } else {
      }
      %mul3A_321 = arith.constant 8 : i32
      %mul3A_322 = arith.muli %scan3A_184, %mul3A_321 : i32
      %add3A_323 = arith.constant 4 : i32
      %add3A_324 = arith.addi %mul3A_322, %add3A_323 : i32
      %get3A_325 = arith.index_cast %add3A_324 : i32 to index
      %get3A_326 = tpu.vector_load %arg8[%get3A_325] {strides = array<i32>} : memref<144xi32, #tpu.memory_space<vmem>>, vector<16xi32>,
      %slice3A_327 = vector.extract_strided_slice %get3A_326 {offsets = [0], sizes = [1], strides = [1]} : vector<16xi32> to vector<1xi32>
      %squeeze3A_328 = vector.extract %slice3A_327[0] : i32 from vector<1xi32>
      %and3A_329 = arith.constant 127 : i32
      %and3A_330 = arith.andi %squeeze3A_328, %and3A_329 : i32
      %broadcast_in_dim3A_331 = vector.broadcast %and3A_330 : i32 to vector<16xi32>
      %iota3A_332 = tpu.iota {dimensions = array<i32: 0>} : vector<16xi32>
      %dma_wait3A_333 = arith.constant 0 : i32
      %dma_wait3A_334 = arith.constant 0 : i32
      %dma_wait3A_335 = tpu.memref_slice %arg4[%dma_wait3A_333, %dma_wait3A_334] : memref<32x1000000xf32, #tpu.memory_space<hbm>> -> memref<32x128xf32, #tpu.memory_space<hbm>>
      %dma_wait3A_336 = arith.constant 0 : i32
      %dma_wait3A_337 = arith.constant 0 : i32
      %dma_wait3A_338 = tpu.memref_slice %arg4[%dma_wait3A_336, %dma_wait3A_337] : memref<32x1000000xf32, #tpu.memory_space<hbm>> -> memref<32x128xf32, #tpu.memory_space<hbm>>
      tpu.wait_dma2 semaphore(%arg22 : memref<!tpu.dma_semaphore, #tpu.memory_space<semaphore_mem>>) src(%dma_wait3A_338 : memref<32x128xf32, #tpu.memory_space<hbm>>) dst(%arg14 : memref<32x128xf32, #tpu.memory_space<vmem>>)
      %gather3A_339 = tpu.vector_load_idx %arg14[%iota3A_332, %broadcast_in_dim3A_331] : memref<32x128xf32, #tpu.memory_space<vmem>>[vector<16xi32>, vector<16xi32>], vector<16xf32>,
      %add3A_340 = arith.constant 16 : i32
      %add3A_341 = vector.broadcast %add3A_340 : i32 to vector<16xi32>
      %add3A_342 = arith.addi %iota3A_332, %add3A_341 : vector<16xi32>
      %gather3A_343 = tpu.vector_load_idx %arg14[%add3A_342, %broadcast_in_dim3A_331] : memref<32x128xf32, #tpu.memory_space<vmem>>[vector<16xi32>, vector<16xi32>], vector<16xf32>,
      %swap3A_344 = arith.index_cast %add3A_324 : i32 to index
      %swap3A_345 = arith.constant 0 : index
      %swap3A_346 = tpu.vector_load %arg9[%swap3A_344, %swap3A_345] {strides = array<i32>} : memref<128x32xf32, #tpu.memory_space<vmem>>, vector<16xf32>,
      tpu.vector_store %arg9[%swap3A_344, %swap3A_345], %gather3A_339 {strides = array<i32>} : memref<128x32xf32, #tpu.memory_space<vmem>>, vector<16xf32>,
      %swap3A_347 = arith.index_cast %add3A_324 : i32 to index
      %swap3A_348 = arith.constant 16 : index
      %swap3A_349 = tpu.vector_load %arg9[%swap3A_347, %swap3A_348] {strides = array<i32>} : memref<128x32xf32, #tpu.memory_space<vmem>>, vector<16xf32>,
      tpu.vector_store %arg9[%swap3A_347, %swap3A_348], %gather3A_343 {strides = array<i32>} : memref<128x32xf32, #tpu.memory_space<vmem>>, vector<16xf32>,
      %add3A_350 = arith.constant 8 : i32
      %add3A_351 = arith.addi %add3A_324, %add3A_350 : i32
      %lt3A_352 = arith.constant 128 : i32
      %lt3A_353 = arith.cmpi slt, %add3A_351, %lt3A_352 : i32
      %convert_element_type3A_354 = arith.extui %lt3A_353 : i1 to i32
      %cond3A_355 = arith.constant 0 : i32
      %cond3A_356 = arith.cmpi ne, %convert_element_type3A_354, %cond3A_355 : i32
      scf.if %cond3A_356 {
        %get3A_465 = arith.index_cast %add3A_351 : i32 to index
        %get3A_466 = tpu.vector_load %arg8[%get3A_465] {strides = array<i32>} : memref<144xi32, #tpu.memory_space<vmem>>, vector<16xi32>,
        %slice3A_467 = vector.extract_strided_slice %get3A_466 {offsets = [0], sizes = [1], strides = [1]} : vector<16xi32> to vector<1xi32>
        %squeeze3A_468 = vector.extract %slice3A_467[0] : i32 from vector<1xi32>
        %and3A_469 = arith.constant -128 : i32
        %and3A_470 = arith.andi %squeeze3A_468, %and3A_469 : i32
        %multiple_of3A_471 = tpu.assume_multiple %and3A_470, 128 : i32
        %dma_start3A_472 = arith.constant 0 : i32
        %dma_start3A_473 = tpu.memref_slice %arg4[%dma_start3A_472, %multiple_of3A_471] : memref<32x1000000xf32, #tpu.memory_space<hbm>> -> memref<32x128xf32, #tpu.memory_space<hbm>>
        %dma_start3A_474 = arith.constant 0 : i32
        %dma_start3A_475 = tpu.memref_slice %arg4[%dma_start3A_474, %multiple_of3A_471] : memref<32x1000000xf32, #tpu.memory_space<hbm>> -> memref<32x128xf32, #tpu.memory_space<hbm>>
        tpu.enqueue_dma source(%dma_start3A_475 : memref<32x128xf32, #tpu.memory_space<hbm>>) target(%arg14 : memref<32x128xf32, #tpu.memory_space<vmem>>) target_semaphore(%arg22 : memref<!tpu.dma_semaphore, #tpu.memory_space<semaphore_mem>>)
      } else {
      }
      %mul3A_357 = arith.constant 8 : i32
      %mul3A_358 = arith.muli %scan3A_184, %mul3A_357 : i32
      %add3A_359 = arith.constant 5 : i32
      %add3A_360 = arith.addi %mul3A_358, %add3A_359 : i32
      %get3A_361 = arith.index_cast %add3A_360 : i32 to index
      %get3A_362 = tpu.vector_load %arg8[%get3A_361] {strides = array<i32>} : memref<144xi32, #tpu.memory_space<vmem>>, vector<16xi32>,
      %slice3A_363 = vector.extract_strided_slice %get3A_362 {offsets = [0], sizes = [1], strides = [1]} : vector<16xi32> to vector<1xi32>
      %squeeze3A_364 = vector.extract %slice3A_363[0] : i32 from vector<1xi32>
      %and3A_365 = arith.constant 127 : i32
      %and3A_366 = arith.andi %squeeze3A_364, %and3A_365 : i32
      %broadcast_in_dim3A_367 = vector.broadcast %and3A_366 : i32 to vector<16xi32>
      %iota3A_368 = tpu.iota {dimensions = array<i32: 0>} : vector<16xi32>
      %dma_wait3A_369 = arith.constant 0 : i32
      %dma_wait3A_370 = arith.constant 0 : i32
      %dma_wait3A_371 = tpu.memref_slice %arg4[%dma_wait3A_369, %dma_wait3A_370] : memref<32x1000000xf32, #tpu.memory_space<hbm>> -> memref<32x128xf32, #tpu.memory_space<hbm>>
      %dma_wait3A_372 = arith.constant 0 : i32
      %dma_wait3A_373 = arith.constant 0 : i32
      %dma_wait3A_374 = tpu.memref_slice %arg4[%dma_wait3A_372, %dma_wait3A_373] : memref<32x1000000xf32, #tpu.memory_space<hbm>> -> memref<32x128xf32, #tpu.memory_space<hbm>>
      tpu.wait_dma2 semaphore(%arg23 : memref<!tpu.dma_semaphore, #tpu.memory_space<semaphore_mem>>) src(%dma_wait3A_374 : memref<32x128xf32, #tpu.memory_space<hbm>>) dst(%arg15 : memref<32x128xf32, #tpu.memory_space<vmem>>)
      %gather3A_375 = tpu.vector_load_idx %arg15[%iota3A_368, %broadcast_in_dim3A_367] : memref<32x128xf32, #tpu.memory_space<vmem>>[vector<16xi32>, vector<16xi32>], vector<16xf32>,
      %add3A_376 = arith.constant 16 : i32
      %add3A_377 = vector.broadcast %add3A_376 : i32 to vector<16xi32>
      %add3A_378 = arith.addi %iota3A_368, %add3A_377 : vector<16xi32>
      %gather3A_379 = tpu.vector_load_idx %arg15[%add3A_378, %broadcast_in_dim3A_367] : memref<32x128xf32, #tpu.memory_space<vmem>>[vector<16xi32>, vector<16xi32>], vector<16xf32>,
      %swap3A_380 = arith.index_cast %add3A_360 : i32 to index
      %swap3A_381 = arith.constant 0 : index
      %swap3A_382 = tpu.vector_load %arg9[%swap3A_380, %swap3A_381] {strides = array<i32>} : memref<128x32xf32, #tpu.memory_space<vmem>>, vector<16xf32>,
      tpu.vector_store %arg9[%swap3A_380, %swap3A_381], %gather3A_375 {strides = array<i32>} : memref<128x32xf32, #tpu.memory_space<vmem>>, vector<16xf32>,
      %swap3A_383 = arith.index_cast %add3A_360 : i32 to index
      %swap3A_384 = arith.constant 16 : index
      %swap3A_385 = tpu.vector_load %arg9[%swap3A_383, %swap3A_384] {strides = array<i32>} : memref<128x32xf32, #tpu.memory_space<vmem>>, vector<16xf32>,
      tpu.vector_store %arg9[%swap3A_383, %swap3A_384], %gather3A_379 {strides = array<i32>} : memref<128x32xf32, #tpu.memory_space<vmem>>, vector<16xf32>,
      %add3A_386 = arith.constant 8 : i32
      %add3A_387 = arith.addi %add3A_360, %add3A_386 : i32
      %lt3A_388 = arith.constant 128 : i32
      %lt3A_389 = arith.cmpi slt, %add3A_387, %lt3A_388 : i32
      %convert_element_type3A_390 = arith.extui %lt3A_389 : i1 to i32
      %cond3A_391 = arith.constant 0 : i32
      %cond3A_392 = arith.cmpi ne, %convert_element_type3A_390, %cond3A_391 : i32
      scf.if %cond3A_392 {
        %get3A_465 = arith.index_cast %add3A_387 : i32 to index
        %get3A_466 = tpu.vector_load %arg8[%get3A_465] {strides = array<i32>} : memref<144xi32, #tpu.memory_space<vmem>>, vector<16xi32>,
        %slice3A_467 = vector.extract_strided_slice %get3A_466 {offsets = [0], sizes = [1], strides = [1]} : vector<16xi32> to vector<1xi32>
        %squeeze3A_468 = vector.extract %slice3A_467[0] : i32 from vector<1xi32>
        %and3A_469 = arith.constant -128 : i32
        %and3A_470 = arith.andi %squeeze3A_468, %and3A_469 : i32
        %multiple_of3A_471 = tpu.assume_multiple %and3A_470, 128 : i32
        %dma_start3A_472 = arith.constant 0 : i32
        %dma_start3A_473 = tpu.memref_slice %arg4[%dma_start3A_472, %multiple_of3A_471] : memref<32x1000000xf32, #tpu.memory_space<hbm>> -> memref<32x128xf32, #tpu.memory_space<hbm>>
        %dma_start3A_474 = arith.constant 0 : i32
        %dma_start3A_475 = tpu.memref_slice %arg4[%dma_start3A_474, %multiple_of3A_471] : memref<32x1000000xf32, #tpu.memory_space<hbm>> -> memref<32x128xf32, #tpu.memory_space<hbm>>
        tpu.enqueue_dma source(%dma_start3A_475 : memref<32x128xf32, #tpu.memory_space<hbm>>) target(%arg15 : memref<32x128xf32, #tpu.memory_space<vmem>>) target_semaphore(%arg23 : memref<!tpu.dma_semaphore, #tpu.memory_space<semaphore_mem>>)
      } else {
      }
      %mul3A_393 = arith.constant 8 : i32
      %mul3A_394 = arith.muli %scan3A_184, %mul3A_393 : i32
      %add3A_395 = arith.constant 6 : i32
      %add3A_396 = arith.addi %mul3A_394, %add3A_395 : i32
      %get3A_397 = arith.index_cast %add3A_396 : i32 to index
      %get3A_398 = tpu.vector_load %arg8[%get3A_397] {strides = array<i32>} : memref<144xi32, #tpu.memory_space<vmem>>, vector<16xi32>,
      %slice3A_399 = vector.extract_strided_slice %get3A_398 {offsets = [0], sizes = [1], strides = [1]} : vector<16xi32> to vector<1xi32>
      %squeeze3A_400 = vector.extract %slice3A_399[0] : i32 from vector<1xi32>
      %and3A_401 = arith.constant 127 : i32
      %and3A_402 = arith.andi %squeeze3A_400, %and3A_401 : i32
      %broadcast_in_dim3A_403 = vector.broadcast %and3A_402 : i32 to vector<16xi32>
      %iota3A_404 = tpu.iota {dimensions = array<i32: 0>} : vector<16xi32>
      %dma_wait3A_405 = arith.constant 0 : i32
      %dma_wait3A_406 = arith.constant 0 : i32
      %dma_wait3A_407 = tpu.memref_slice %arg4[%dma_wait3A_405, %dma_wait3A_406] : memref<32x1000000xf32, #tpu.memory_space<hbm>> -> memref<32x128xf32, #tpu.memory_space<hbm>>
      %dma_wait3A_408 = arith.constant 0 : i32
      %dma_wait3A_409 = arith.constant 0 : i32
      %dma_wait3A_410 = tpu.memref_slice %arg4[%dma_wait3A_408, %dma_wait3A_409] : memref<32x1000000xf32, #tpu.memory_space<hbm>> -> memref<32x128xf32, #tpu.memory_space<hbm>>
      tpu.wait_dma2 semaphore(%arg24 : memref<!tpu.dma_semaphore, #tpu.memory_space<semaphore_mem>>) src(%dma_wait3A_410 : memref<32x128xf32, #tpu.memory_space<hbm>>) dst(%arg16 : memref<32x128xf32, #tpu.memory_space<vmem>>)
      %gather3A_411 = tpu.vector_load_idx %arg16[%iota3A_404, %broadcast_in_dim3A_403] : memref<32x128xf32, #tpu.memory_space<vmem>>[vector<16xi32>, vector<16xi32>], vector<16xf32>,
      %add3A_412 = arith.constant 16 : i32
      %add3A_413 = vector.broadcast %add3A_412 : i32 to vector<16xi32>
      %add3A_414 = arith.addi %iota3A_404, %add3A_413 : vector<16xi32>
      %gather3A_415 = tpu.vector_load_idx %arg16[%add3A_414, %broadcast_in_dim3A_403] : memref<32x128xf32, #tpu.memory_space<vmem>>[vector<16xi32>, vector<16xi32>], vector<16xf32>,
      %swap3A_416 = arith.index_cast %add3A_396 : i32 to index
      %swap3A_417 = arith.constant 0 : index
      %swap3A_418 = tpu.vector_load %arg9[%swap3A_416, %swap3A_417] {strides = array<i32>} : memref<128x32xf32, #tpu.memory_space<vmem>>, vector<16xf32>,
      tpu.vector_store %arg9[%swap3A_416, %swap3A_417], %gather3A_411 {strides = array<i32>} : memref<128x32xf32, #tpu.memory_space<vmem>>, vector<16xf32>,
      %swap3A_419 = arith.index_cast %add3A_396 : i32 to index
      %swap3A_420 = arith.constant 16 : index
      %swap3A_421 = tpu.vector_load %arg9[%swap3A_419, %swap3A_420] {strides = array<i32>} : memref<128x32xf32, #tpu.memory_space<vmem>>, vector<16xf32>,
      tpu.vector_store %arg9[%swap3A_419, %swap3A_420], %gather3A_415 {strides = array<i32>} : memref<128x32xf32, #tpu.memory_space<vmem>>, vector<16xf32>,
      %add3A_422 = arith.constant 8 : i32
      %add3A_423 = arith.addi %add3A_396, %add3A_422 : i32
      %lt3A_424 = arith.constant 128 : i32
      %lt3A_425 = arith.cmpi slt, %add3A_423, %lt3A_424 : i32
      %convert_element_type3A_426 = arith.extui %lt3A_425 : i1 to i32
      %cond3A_427 = arith.constant 0 : i32
      %cond3A_428 = arith.cmpi ne, %convert_element_type3A_426, %cond3A_427 : i32
      scf.if %cond3A_428 {
        %get3A_465 = arith.index_cast %add3A_423 : i32 to index
        %get3A_466 = tpu.vector_load %arg8[%get3A_465] {strides = array<i32>} : memref<144xi32, #tpu.memory_space<vmem>>, vector<16xi32>,
        %slice3A_467 = vector.extract_strided_slice %get3A_466 {offsets = [0], sizes = [1], strides = [1]} : vector<16xi32> to vector<1xi32>
        %squeeze3A_468 = vector.extract %slice3A_467[0] : i32 from vector<1xi32>
        %and3A_469 = arith.constant -128 : i32
        %and3A_470 = arith.andi %squeeze3A_468, %and3A_469 : i32
        %multiple_of3A_471 = tpu.assume_multiple %and3A_470, 128 : i32
        %dma_start3A_472 = arith.constant 0 : i32
        %dma_start3A_473 = tpu.memref_slice %arg4[%dma_start3A_472, %multiple_of3A_471] : memref<32x1000000xf32, #tpu.memory_space<hbm>> -> memref<32x128xf32, #tpu.memory_space<hbm>>
        %dma_start3A_474 = arith.constant 0 : i32
        %dma_start3A_475 = tpu.memref_slice %arg4[%dma_start3A_474, %multiple_of3A_471] : memref<32x1000000xf32, #tpu.memory_space<hbm>> -> memref<32x128xf32, #tpu.memory_space<hbm>>
        tpu.enqueue_dma source(%dma_start3A_475 : memref<32x128xf32, #tpu.memory_space<hbm>>) target(%arg16 : memref<32x128xf32, #tpu.memory_space<vmem>>) target_semaphore(%arg24 : memref<!tpu.dma_semaphore, #tpu.memory_space<semaphore_mem>>)
      } else {
      }
      %mul3A_429 = arith.constant 8 : i32
      %mul3A_430 = arith.muli %scan3A_184, %mul3A_429 : i32
      %add3A_431 = arith.constant 7 : i32
      %add3A_432 = arith.addi %mul3A_430, %add3A_431 : i32
      %get3A_433 = arith.index_cast %add3A_432 : i32 to index
      %get3A_434 = tpu.vector_load %arg8[%get3A_433] {strides = array<i32>} : memref<144xi32, #tpu.memory_space<vmem>>, vector<16xi32>,
      %slice3A_435 = vector.extract_strided_slice %get3A_434 {offsets = [0], sizes = [1], strides = [1]} : vector<16xi32> to vector<1xi32>
      %squeeze3A_436 = vector.extract %slice3A_435[0] : i32 from vector<1xi32>
      %and3A_437 = arith.constant 127 : i32
      %and3A_438 = arith.andi %squeeze3A_436, %and3A_437 : i32
      %broadcast_in_dim3A_439 = vector.broadcast %and3A_438 : i32 to vector<16xi32>
      %iota3A_440 = tpu.iota {dimensions = array<i32: 0>} : vector<16xi32>
      %dma_wait3A_441 = arith.constant 0 : i32
      %dma_wait3A_442 = arith.constant 0 : i32
      %dma_wait3A_443 = tpu.memref_slice %arg4[%dma_wait3A_441, %dma_wait3A_442] : memref<32x1000000xf32, #tpu.memory_space<hbm>> -> memref<32x128xf32, #tpu.memory_space<hbm>>
      %dma_wait3A_444 = arith.constant 0 : i32
      %dma_wait3A_445 = arith.constant 0 : i32
      %dma_wait3A_446 = tpu.memref_slice %arg4[%dma_wait3A_444, %dma_wait3A_445] : memref<32x1000000xf32, #tpu.memory_space<hbm>> -> memref<32x128xf32, #tpu.memory_space<hbm>>
      tpu.wait_dma2 semaphore(%arg25 : memref<!tpu.dma_semaphore, #tpu.memory_space<semaphore_mem>>) src(%dma_wait3A_446 : memref<32x128xf32, #tpu.memory_space<hbm>>) dst(%arg17 : memref<32x128xf32, #tpu.memory_space<vmem>>)
      %gather3A_447 = tpu.vector_load_idx %arg17[%iota3A_440, %broadcast_in_dim3A_439] : memref<32x128xf32, #tpu.memory_space<vmem>>[vector<16xi32>, vector<16xi32>], vector<16xf32>,
      %add3A_448 = arith.constant 16 : i32
      %add3A_449 = vector.broadcast %add3A_448 : i32 to vector<16xi32>
      %add3A_450 = arith.addi %iota3A_440, %add3A_449 : vector<16xi32>
      %gather3A_451 = tpu.vector_load_idx %arg17[%add3A_450, %broadcast_in_dim3A_439] : memref<32x128xf32, #tpu.memory_space<vmem>>[vector<16xi32>, vector<16xi32>], vector<16xf32>,
      %swap3A_452 = arith.index_cast %add3A_432 : i32 to index
      %swap3A_453 = arith.constant 0 : index
      %swap3A_454 = tpu.vector_load %arg9[%swap3A_452, %swap3A_453] {strides = array<i32>} : memref<128x32xf32, #tpu.memory_space<vmem>>, vector<16xf32>,
      tpu.vector_store %arg9[%swap3A_452, %swap3A_453], %gather3A_447 {strides = array<i32>} : memref<128x32xf32, #tpu.memory_space<vmem>>, vector<16xf32>,
      %swap3A_455 = arith.index_cast %add3A_432 : i32 to index
      %swap3A_456 = arith.constant 16 : index
      %swap3A_457 = tpu.vector_load %arg9[%swap3A_455, %swap3A_456] {strides = array<i32>} : memref<128x32xf32, #tpu.memory_space<vmem>>, vector<16xf32>,
      tpu.vector_store %arg9[%swap3A_455, %swap3A_456], %gather3A_451 {strides = array<i32>} : memref<128x32xf32, #tpu.memory_space<vmem>>, vector<16xf32>,
      %add3A_458 = arith.constant 8 : i32
      %add3A_459 = arith.addi %add3A_432, %add3A_458 : i32
      %lt3A_460 = arith.constant 128 : i32
      %lt3A_461 = arith.cmpi slt, %add3A_459, %lt3A_460 : i32
      %convert_element_type3A_462 = arith.extui %lt3A_461 : i1 to i32
      %cond3A_463 = arith.constant 0 : i32
      %cond3A_464 = arith.cmpi ne, %convert_element_type3A_462, %cond3A_463 : i32
      scf.if %cond3A_464 {
        %get3A_465 = arith.index_cast %add3A_459 : i32 to index
        %get3A_466 = tpu.vector_load %arg8[%get3A_465] {strides = array<i32>} : memref<144xi32, #tpu.memory_space<vmem>>, vector<16xi32>,
        %slice3A_467 = vector.extract_strided_slice %get3A_466 {offsets = [0], sizes = [1], strides = [1]} : vector<16xi32> to vector<1xi32>
        %squeeze3A_468 = vector.extract %slice3A_467[0] : i32 from vector<1xi32>
        %and3A_469 = arith.constant -128 : i32
        %and3A_470 = arith.andi %squeeze3A_468, %and3A_469 : i32
        %multiple_of3A_471 = tpu.assume_multiple %and3A_470, 128 : i32
        %dma_start3A_472 = arith.constant 0 : i32
        %dma_start3A_473 = tpu.memref_slice %arg4[%dma_start3A_472, %multiple_of3A_471] : memref<32x1000000xf32, #tpu.memory_space<hbm>> -> memref<32x128xf32, #tpu.memory_space<hbm>>
        %dma_start3A_474 = arith.constant 0 : i32
        %dma_start3A_475 = tpu.memref_slice %arg4[%dma_start3A_474, %multiple_of3A_471] : memref<32x1000000xf32, #tpu.memory_space<hbm>> -> memref<32x128xf32, #tpu.memory_space<hbm>>
        tpu.enqueue_dma source(%dma_start3A_475 : memref<32x128xf32, #tpu.memory_space<hbm>>) target(%arg17 : memref<32x128xf32, #tpu.memory_space<vmem>>) target_semaphore(%arg25 : memref<!tpu.dma_semaphore, #tpu.memory_space<semaphore_mem>>)
      } else {
      }
    }
    %scan3A_89 = arith.constant 16 : i32
    "tpu.region"() ({
      %run_scoped3A = tpu.sem_alloc : memref<!tpu.dma_semaphore, #tpu.memory_space<semaphore_mem>>
      %dma_start3A_184 = arith.constant 0 : i32
      %dma_start3A_185 = tpu.memref_slice %arg6[%mul3A_2, %dma_start3A_184] : memref<4096x32xf32, #tpu.memory_space<hbm>> -> memref<128x32xf32, #tpu.memory_space<hbm>>
      %dma_start3A_186 = arith.constant 0 : i32
      %dma_start3A_187 = tpu.memref_slice %arg6[%mul3A_2, %dma_start3A_186] : memref<4096x32xf32, #tpu.memory_space<hbm>> -> memref<128x32xf32, #tpu.memory_space<hbm>>
      tpu.enqueue_dma source(%arg9 : memref<128x32xf32, #tpu.memory_space<vmem>>) target(%dma_start3A_187 : memref<128x32xf32, #tpu.memory_space<hbm>>) target_semaphore(%run_scoped3A : memref<!tpu.dma_semaphore, #tpu.memory_space<semaphore_mem>>)
      %dma_wait3A = arith.constant 0 : i32
      %dma_wait3A_188 = tpu.memref_slice %arg6[%mul3A_2, %dma_wait3A] : memref<4096x32xf32, #tpu.memory_space<hbm>> -> memref<128x32xf32, #tpu.memory_space<hbm>>
      %dma_wait3A_189 = arith.constant 0 : i32
      %dma_wait3A_190 = tpu.memref_slice %arg6[%mul3A_2, %dma_wait3A_189] : memref<4096x32xf32, #tpu.memory_space<hbm>> -> memref<128x32xf32, #tpu.memory_space<hbm>>
      tpu.wait_dma2 semaphore(%run_scoped3A : memref<!tpu.dma_semaphore, #tpu.memory_space<semaphore_mem>>) src(%arg9 : memref<128x32xf32, #tpu.memory_space<vmem>>) dst(%dma_wait3A_190 : memref<128x32xf32, #tpu.memory_space<hbm>>)
      tpu.yield
    }) : () -> ()
    "tpu.region"() ({
      %run_scoped3A = tpu.sem_alloc : memref<!tpu.dma_semaphore, #tpu.memory_space<semaphore_mem>>
      %dma_start3A_184 = arith.constant 0 : i32
      %dma_start3A_185 = tpu.memref_slice %arg8[%dma_start3A_184] : memref<144xi32, #tpu.memory_space<vmem>> -> memref<128xi32, #tpu.memory_space<vmem>>
      %dma_start3A_186 = tpu.memref_slice %arg3[%mul3A_2] : memref<4096xi32, #tpu.memory_space<hbm>> -> memref<128xi32, #tpu.memory_space<hbm>>
      %dma_start3A_187 = arith.constant 0 : i32
      %dma_start3A_188 = tpu.memref_slice %arg8[%dma_start3A_187] : memref<144xi32, #tpu.memory_space<vmem>> -> memref<128xi32, #tpu.memory_space<vmem>>
      %dma_start3A_189 = tpu.memref_slice %arg3[%mul3A_2] : memref<4096xi32, #tpu.memory_space<hbm>> -> memref<128xi32, #tpu.memory_space<hbm>>
      tpu.enqueue_dma source(%dma_start3A_189 : memref<128xi32, #tpu.memory_space<hbm>>) target(%dma_start3A_188 : memref<128xi32, #tpu.memory_space<vmem>>) target_semaphore(%run_scoped3A : memref<!tpu.dma_semaphore, #tpu.memory_space<semaphore_mem>>)
      %dma_wait3A = arith.constant 0 : i32
      %dma_wait3A_190 = tpu.memref_slice %arg8[%dma_wait3A] : memref<144xi32, #tpu.memory_space<vmem>> -> memref<128xi32, #tpu.memory_space<vmem>>
      %dma_wait3A_191 = tpu.memref_slice %arg3[%mul3A_2] : memref<4096xi32, #tpu.memory_space<hbm>> -> memref<128xi32, #tpu.memory_space<hbm>>
      %dma_wait3A_192 = arith.constant 0 : i32
      %dma_wait3A_193 = tpu.memref_slice %arg8[%dma_wait3A_192] : memref<144xi32, #tpu.memory_space<vmem>> -> memref<128xi32, #tpu.memory_space<vmem>>
      %dma_wait3A_194 = tpu.memref_slice %arg3[%mul3A_2] : memref<4096xi32, #tpu.memory_space<hbm>> -> memref<128xi32, #tpu.memory_space<hbm>>
      tpu.wait_dma2 semaphore(%run_scoped3A : memref<!tpu.dma_semaphore, #tpu.memory_space<semaphore_mem>>) src(%dma_wait3A_194 : memref<128xi32, #tpu.memory_space<hbm>>) dst(%dma_wait3A_193 : memref<128xi32, #tpu.memory_space<vmem>>)
      tpu.yield
    }) : () -> ()
    %get3A_90 = arith.constant 0 : index
    %get3A_91 = tpu.vector_load %arg8[%get3A_90] {strides = array<i32>} : memref<144xi32, #tpu.memory_space<vmem>>, vector<16xi32>,
    %slice3A_92 = vector.extract_strided_slice %get3A_91 {offsets = [0], sizes = [1], strides = [1]} : vector<16xi32> to vector<1xi32>
    %squeeze3A_93 = vector.extract %slice3A_92[0] : i32 from vector<1xi32>
    %and3A_94 = arith.constant -128 : i32
    %and3A_95 = arith.andi %squeeze3A_93, %and3A_94 : i32
    %multiple_of3A_96 = tpu.assume_multiple %and3A_95, 128 : i32
    %dma_start3A_97 = arith.constant 0 : i32
    %dma_start3A_98 = tpu.memref_slice %arg5[%dma_start3A_97, %multiple_of3A_96] : memref<32x100000xf32, #tpu.memory_space<hbm>> -> memref<32x128xf32, #tpu.memory_space<hbm>>
    %dma_start3A_99 = arith.constant 0 : i32
    %dma_start3A_100 = tpu.memref_slice %arg5[%dma_start3A_99, %multiple_of3A_96] : memref<32x100000xf32, #tpu.memory_space<hbm>> -> memref<32x128xf32, #tpu.memory_space<hbm>>
    tpu.enqueue_dma source(%dma_start3A_100 : memref<32x128xf32, #tpu.memory_space<hbm>>) target(%arg10 : memref<32x128xf32, #tpu.memory_space<vmem>>) target_semaphore(%arg18 : memref<!tpu.dma_semaphore, #tpu.memory_space<semaphore_mem>>)
    %get3A_101 = arith.constant 1 : index
    %get3A_102 = tpu.vector_load %arg8[%get3A_101] {strides = array<i32>} : memref<144xi32, #tpu.memory_space<vmem>>, vector<16xi32>,
    %slice3A_103 = vector.extract_strided_slice %get3A_102 {offsets = [0], sizes = [1], strides = [1]} : vector<16xi32> to vector<1xi32>
    %squeeze3A_104 = vector.extract %slice3A_103[0] : i32 from vector<1xi32>
    %and3A_105 = arith.constant -128 : i32
    %and3A_106 = arith.andi %squeeze3A_104, %and3A_105 : i32
    %multiple_of3A_107 = tpu.assume_multiple %and3A_106, 128 : i32
    %dma_start3A_108 = arith.constant 0 : i32
    %dma_start3A_109 = tpu.memref_slice %arg5[%dma_start3A_108, %multiple_of3A_107] : memref<32x100000xf32, #tpu.memory_space<hbm>> -> memref<32x128xf32, #tpu.memory_space<hbm>>
    %dma_start3A_110 = arith.constant 0 : i32
    %dma_start3A_111 = tpu.memref_slice %arg5[%dma_start3A_110, %multiple_of3A_107] : memref<32x100000xf32, #tpu.memory_space<hbm>> -> memref<32x128xf32, #tpu.memory_space<hbm>>
    tpu.enqueue_dma source(%dma_start3A_111 : memref<32x128xf32, #tpu.memory_space<hbm>>) target(%arg11 : memref<32x128xf32, #tpu.memory_space<vmem>>) target_semaphore(%arg19 : memref<!tpu.dma_semaphore, #tpu.memory_space<semaphore_mem>>)
    %get3A_112 = arith.constant 2 : index
    %get3A_113 = tpu.vector_load %arg8[%get3A_112] {strides = array<i32>} : memref<144xi32, #tpu.memory_space<vmem>>, vector<16xi32>,
    %slice3A_114 = vector.extract_strided_slice %get3A_113 {offsets = [0], sizes = [1], strides = [1]} : vector<16xi32> to vector<1xi32>
    %squeeze3A_115 = vector.extract %slice3A_114[0] : i32 from vector<1xi32>
    %and3A_116 = arith.constant -128 : i32
    %and3A_117 = arith.andi %squeeze3A_115, %and3A_116 : i32
    %multiple_of3A_118 = tpu.assume_multiple %and3A_117, 128 : i32
    %dma_start3A_119 = arith.constant 0 : i32
    %dma_start3A_120 = tpu.memref_slice %arg5[%dma_start3A_119, %multiple_of3A_118] : memref<32x100000xf32, #tpu.memory_space<hbm>> -> memref<32x128xf32, #tpu.memory_space<hbm>>
    %dma_start3A_121 = arith.constant 0 : i32
    %dma_start3A_122 = tpu.memref_slice %arg5[%dma_start3A_121, %multiple_of3A_118] : memref<32x100000xf32, #tpu.memory_space<hbm>> -> memref<32x128xf32, #tpu.memory_space<hbm>>
    tpu.enqueue_dma source(%dma_start3A_122 : memref<32x128xf32, #tpu.memory_space<hbm>>) target(%arg12 : memref<32x128xf32, #tpu.memory_space<vmem>>) target_semaphore(%arg20 : memref<!tpu.dma_semaphore, #tpu.memory_space<semaphore_mem>>)
    %get3A_123 = arith.constant 3 : index
    %get3A_124 = tpu.vector_load %arg8[%get3A_123] {strides = array<i32>} : memref<144xi32, #tpu.memory_space<vmem>>, vector<16xi32>,
    %slice3A_125 = vector.extract_strided_slice %get3A_124 {offsets = [0], sizes = [1], strides = [1]} : vector<16xi32> to vector<1xi32>
    %squeeze3A_126 = vector.extract %slice3A_125[0] : i32 from vector<1xi32>
    %and3A_127 = arith.constant -128 : i32
    %and3A_128 = arith.andi %squeeze3A_126, %and3A_127 : i32
    %multiple_of3A_129 = tpu.assume_multiple %and3A_128, 128 : i32
    %dma_start3A_130 = arith.constant 0 : i32
    %dma_start3A_131 = tpu.memref_slice %arg5[%dma_start3A_130, %multiple_of3A_129] : memref<32x100000xf32, #tpu.memory_space<hbm>> -> memref<32x128xf32, #tpu.memory_space<hbm>>
    %dma_start3A_132 = arith.constant 0 : i32
    %dma_start3A_133 = tpu.memref_slice %arg5[%dma_start3A_132, %multiple_of3A_129] : memref<32x100000xf32, #tpu.memory_space<hbm>> -> memref<32x128xf32, #tpu.memory_space<hbm>>
    tpu.enqueue_dma source(%dma_start3A_133 : memref<32x128xf32, #tpu.memory_space<hbm>>) target(%arg13 : memref<32x128xf32, #tpu.memory_space<vmem>>) target_semaphore(%arg21 : memref<!tpu.dma_semaphore, #tpu.memory_space<semaphore_mem>>)
    %get3A_134 = arith.constant 4 : index
    %get3A_135 = tpu.vector_load %arg8[%get3A_134] {strides = array<i32>} : memref<144xi32, #tpu.memory_space<vmem>>, vector<16xi32>,
    %slice3A_136 = vector.extract_strided_slice %get3A_135 {offsets = [0], sizes = [1], strides = [1]} : vector<16xi32> to vector<1xi32>
    %squeeze3A_137 = vector.extract %slice3A_136[0] : i32 from vector<1xi32>
    %and3A_138 = arith.constant -128 : i32
    %and3A_139 = arith.andi %squeeze3A_137, %and3A_138 : i32
    %multiple_of3A_140 = tpu.assume_multiple %and3A_139, 128 : i32
    %dma_start3A_141 = arith.constant 0 : i32
    %dma_start3A_142 = tpu.memref_slice %arg5[%dma_start3A_141, %multiple_of3A_140] : memref<32x100000xf32, #tpu.memory_space<hbm>> -> memref<32x128xf32, #tpu.memory_space<hbm>>
    %dma_start3A_143 = arith.constant 0 : i32
    %dma_start3A_144 = tpu.memref_slice %arg5[%dma_start3A_143, %multiple_of3A_140] : memref<32x100000xf32, #tpu.memory_space<hbm>> -> memref<32x128xf32, #tpu.memory_space<hbm>>
    tpu.enqueue_dma source(%dma_start3A_144 : memref<32x128xf32, #tpu.memory_space<hbm>>) target(%arg14 : memref<32x128xf32, #tpu.memory_space<vmem>>) target_semaphore(%arg22 : memref<!tpu.dma_semaphore, #tpu.memory_space<semaphore_mem>>)
    %get3A_145 = arith.constant 5 : index
    %get3A_146 = tpu.vector_load %arg8[%get3A_145] {strides = array<i32>} : memref<144xi32, #tpu.memory_space<vmem>>, vector<16xi32>,
    %slice3A_147 = vector.extract_strided_slice %get3A_146 {offsets = [0], sizes = [1], strides = [1]} : vector<16xi32> to vector<1xi32>
    %squeeze3A_148 = vector.extract %slice3A_147[0] : i32 from vector<1xi32>
    %and3A_149 = arith.constant -128 : i32
    %and3A_150 = arith.andi %squeeze3A_148, %and3A_149 : i32
    %multiple_of3A_151 = tpu.assume_multiple %and3A_150, 128 : i32
    %dma_start3A_152 = arith.constant 0 : i32
    %dma_start3A_153 = tpu.memref_slice %arg5[%dma_start3A_152, %multiple_of3A_151] : memref<32x100000xf32, #tpu.memory_space<hbm>> -> memref<32x128xf32, #tpu.memory_space<hbm>>
    %dma_start3A_154 = arith.constant 0 : i32
    %dma_start3A_155 = tpu.memref_slice %arg5[%dma_start3A_154, %multiple_of3A_151] : memref<32x100000xf32, #tpu.memory_space<hbm>> -> memref<32x128xf32, #tpu.memory_space<hbm>>
    tpu.enqueue_dma source(%dma_start3A_155 : memref<32x128xf32, #tpu.memory_space<hbm>>) target(%arg15 : memref<32x128xf32, #tpu.memory_space<vmem>>) target_semaphore(%arg23 : memref<!tpu.dma_semaphore, #tpu.memory_space<semaphore_mem>>)
    %get3A_156 = arith.constant 6 : index
    %get3A_157 = tpu.vector_load %arg8[%get3A_156] {strides = array<i32>} : memref<144xi32, #tpu.memory_space<vmem>>, vector<16xi32>,
    %slice3A_158 = vector.extract_strided_slice %get3A_157 {offsets = [0], sizes = [1], strides = [1]} : vector<16xi32> to vector<1xi32>
    %squeeze3A_159 = vector.extract %slice3A_158[0] : i32 from vector<1xi32>
    %and3A_160 = arith.constant -128 : i32
    %and3A_161 = arith.andi %squeeze3A_159, %and3A_160 : i32
    %multiple_of3A_162 = tpu.assume_multiple %and3A_161, 128 : i32
    %dma_start3A_163 = arith.constant 0 : i32
    %dma_start3A_164 = tpu.memref_slice %arg5[%dma_start3A_163, %multiple_of3A_162] : memref<32x100000xf32, #tpu.memory_space<hbm>> -> memref<32x128xf32, #tpu.memory_space<hbm>>
    %dma_start3A_165 = arith.constant 0 : i32
    %dma_start3A_166 = tpu.memref_slice %arg5[%dma_start3A_165, %multiple_of3A_162] : memref<32x100000xf32, #tpu.memory_space<hbm>> -> memref<32x128xf32, #tpu.memory_space<hbm>>
    tpu.enqueue_dma source(%dma_start3A_166 : memref<32x128xf32, #tpu.memory_space<hbm>>) target(%arg16 : memref<32x128xf32, #tpu.memory_space<vmem>>) target_semaphore(%arg24 : memref<!tpu.dma_semaphore, #tpu.memory_space<semaphore_mem>>)
    %get3A_167 = arith.constant 7 : index
    %get3A_168 = tpu.vector_load %arg8[%get3A_167] {strides = array<i32>} : memref<144xi32, #tpu.memory_space<vmem>>, vector<16xi32>,
    %slice3A_169 = vector.extract_strided_slice %get3A_168 {offsets = [0], sizes = [1], strides = [1]} : vector<16xi32> to vector<1xi32>
    %squeeze3A_170 = vector.extract %slice3A_169[0] : i32 from vector<1xi32>
    %and3A_171 = arith.constant -128 : i32
    %and3A_172 = arith.andi %squeeze3A_170, %and3A_171 : i32
    %multiple_of3A_173 = tpu.assume_multiple %and3A_172, 128 : i32
    %dma_start3A_174 = arith.constant 0 : i32
    %dma_start3A_175 = tpu.memref_slice %arg5[%dma_start3A_174, %multiple_of3A_173] : memref<32x100000xf32, #tpu.memory_space<hbm>> -> memref<32x128xf32, #tpu.memory_space<hbm>>
    %dma_start3A_176 = arith.constant 0 : i32
    %dma_start3A_177 = tpu.memref_slice %arg5[%dma_start3A_176, %multiple_of3A_173] : memref<32x100000xf32, #tpu.memory_space<hbm>> -> memref<32x128xf32, #tpu.memory_space<hbm>>
    tpu.enqueue_dma source(%dma_start3A_177 : memref<32x128xf32, #tpu.memory_space<hbm>>) target(%arg17 : memref<32x128xf32, #tpu.memory_space<vmem>>) target_semaphore(%arg25 : memref<!tpu.dma_semaphore, #tpu.memory_space<semaphore_mem>>)
    %scan3A_178 = arith.constant 0 : i32
    %scan3A_179 = arith.constant 0 : i32
    %scan3A_180 = arith.constant 16 : i32
    %scan3A_181 = arith.addi %scan3A_179, %scan3A_180 : i32
    %scan3A_182 = arith.constant 1 : i32
    scf.for %scan3A_184 = %scan3A_179 to %scan3A_181 step %scan3A_182  : i32 {
      %mul3A_185 = arith.constant 8 : i32
      %mul3A_186 = arith.muli %scan3A_184, %mul3A_185 : i32
      %add3A_187 = arith.constant 0 : i32
      %add3A_188 = arith.addi %mul3A_186, %add3A_187 : i32
      %get3A_189 = arith.index_cast %add3A_188 : i32 to index
      %get3A_190 = tpu.vector_load %arg8[%get3A_189] {strides = array<i32>} : memref<144xi32, #tpu.memory_space<vmem>>, vector<16xi32>,
      %slice3A_191 = vector.extract_strided_slice %get3A_190 {offsets = [0], sizes = [1], strides = [1]} : vector<16xi32> to vector<1xi32>
      %squeeze3A_192 = vector.extract %slice3A_191[0] : i32 from vector<1xi32>
      %and3A_193 = arith.constant 127 : i32
      %and3A_194 = arith.andi %squeeze3A_192, %and3A_193 : i32
      %broadcast_in_dim3A = vector.broadcast %and3A_194 : i32 to vector<16xi32>
      %iota3A = tpu.iota {dimensions = array<i32: 0>} : vector<16xi32>
      %dma_wait3A = arith.constant 0 : i32
      %dma_wait3A_195 = arith.constant 0 : i32
      %dma_wait3A_196 = tpu.memref_slice %arg5[%dma_wait3A, %dma_wait3A_195] : memref<32x100000xf32, #tpu.memory_space<hbm>> -> memref<32x128xf32, #tpu.memory_space<hbm>>
      %dma_wait3A_197 = arith.constant 0 : i32
      %dma_wait3A_198 = arith.constant 0 : i32
      %dma_wait3A_199 = tpu.memref_slice %arg5[%dma_wait3A_197, %dma_wait3A_198] : memref<32x100000xf32, #tpu.memory_space<hbm>> -> memref<32x128xf32, #tpu.memory_space<hbm>>
      tpu.wait_dma2 semaphore(%arg18 : memref<!tpu.dma_semaphore, #tpu.memory_space<semaphore_mem>>) src(%dma_wait3A_199 : memref<32x128xf32, #tpu.memory_space<hbm>>) dst(%arg10 : memref<32x128xf32, #tpu.memory_space<vmem>>)
      %gather3A = tpu.vector_load_idx %arg10[%iota3A, %broadcast_in_dim3A] : memref<32x128xf32, #tpu.memory_space<vmem>>[vector<16xi32>, vector<16xi32>], vector<16xf32>,
      %add3A_200 = arith.constant 16 : i32
      %add3A_201 = vector.broadcast %add3A_200 : i32 to vector<16xi32>
      %add3A_202 = arith.addi %iota3A, %add3A_201 : vector<16xi32>
      %gather3A_203 = tpu.vector_load_idx %arg10[%add3A_202, %broadcast_in_dim3A] : memref<32x128xf32, #tpu.memory_space<vmem>>[vector<16xi32>, vector<16xi32>], vector<16xf32>,
      %swap3A = arith.index_cast %add3A_188 : i32 to index
      %swap3A_204 = arith.constant 0 : index
      %swap3A_205 = tpu.vector_load %arg9[%swap3A, %swap3A_204] {strides = array<i32>} : memref<128x32xf32, #tpu.memory_space<vmem>>, vector<16xf32>,
      tpu.vector_store %arg9[%swap3A, %swap3A_204], %gather3A {strides = array<i32>} : memref<128x32xf32, #tpu.memory_space<vmem>>, vector<16xf32>,
      %swap3A_206 = arith.index_cast %add3A_188 : i32 to index
      %swap3A_207 = arith.constant 16 : index
      %swap3A_208 = tpu.vector_load %arg9[%swap3A_206, %swap3A_207] {strides = array<i32>} : memref<128x32xf32, #tpu.memory_space<vmem>>, vector<16xf32>,
      tpu.vector_store %arg9[%swap3A_206, %swap3A_207], %gather3A_203 {strides = array<i32>} : memref<128x32xf32, #tpu.memory_space<vmem>>, vector<16xf32>,
      %add3A_209 = arith.constant 8 : i32
      %add3A_210 = arith.addi %add3A_188, %add3A_209 : i32
      %lt3A = arith.constant 128 : i32
      %lt3A_211 = arith.cmpi slt, %add3A_210, %lt3A : i32
      %convert_element_type3A = arith.extui %lt3A_211 : i1 to i32
      %cond3A = arith.constant 0 : i32
      %cond3A_212 = arith.cmpi ne, %convert_element_type3A, %cond3A : i32
      scf.if %cond3A_212 {
        %get3A_465 = arith.index_cast %add3A_210 : i32 to index
        %get3A_466 = tpu.vector_load %arg8[%get3A_465] {strides = array<i32>} : memref<144xi32, #tpu.memory_space<vmem>>, vector<16xi32>,
        %slice3A_467 = vector.extract_strided_slice %get3A_466 {offsets = [0], sizes = [1], strides = [1]} : vector<16xi32> to vector<1xi32>
        %squeeze3A_468 = vector.extract %slice3A_467[0] : i32 from vector<1xi32>
        %and3A_469 = arith.constant -128 : i32
        %and3A_470 = arith.andi %squeeze3A_468, %and3A_469 : i32
        %multiple_of3A_471 = tpu.assume_multiple %and3A_470, 128 : i32
        %dma_start3A_472 = arith.constant 0 : i32
        %dma_start3A_473 = tpu.memref_slice %arg5[%dma_start3A_472, %multiple_of3A_471] : memref<32x100000xf32, #tpu.memory_space<hbm>> -> memref<32x128xf32, #tpu.memory_space<hbm>>
        %dma_start3A_474 = arith.constant 0 : i32
        %dma_start3A_475 = tpu.memref_slice %arg5[%dma_start3A_474, %multiple_of3A_471] : memref<32x100000xf32, #tpu.memory_space<hbm>> -> memref<32x128xf32, #tpu.memory_space<hbm>>
        tpu.enqueue_dma source(%dma_start3A_475 : memref<32x128xf32, #tpu.memory_space<hbm>>) target(%arg10 : memref<32x128xf32, #tpu.memory_space<vmem>>) target_semaphore(%arg18 : memref<!tpu.dma_semaphore, #tpu.memory_space<semaphore_mem>>)
      } else {
      }
      %mul3A_213 = arith.constant 8 : i32
      %mul3A_214 = arith.muli %scan3A_184, %mul3A_213 : i32
      %add3A_215 = arith.constant 1 : i32
      %add3A_216 = arith.addi %mul3A_214, %add3A_215 : i32
      %get3A_217 = arith.index_cast %add3A_216 : i32 to index
      %get3A_218 = tpu.vector_load %arg8[%get3A_217] {strides = array<i32>} : memref<144xi32, #tpu.memory_space<vmem>>, vector<16xi32>,
      %slice3A_219 = vector.extract_strided_slice %get3A_218 {offsets = [0], sizes = [1], strides = [1]} : vector<16xi32> to vector<1xi32>
      %squeeze3A_220 = vector.extract %slice3A_219[0] : i32 from vector<1xi32>
      %and3A_221 = arith.constant 127 : i32
      %and3A_222 = arith.andi %squeeze3A_220, %and3A_221 : i32
      %broadcast_in_dim3A_223 = vector.broadcast %and3A_222 : i32 to vector<16xi32>
      %iota3A_224 = tpu.iota {dimensions = array<i32: 0>} : vector<16xi32>
      %dma_wait3A_225 = arith.constant 0 : i32
      %dma_wait3A_226 = arith.constant 0 : i32
      %dma_wait3A_227 = tpu.memref_slice %arg5[%dma_wait3A_225, %dma_wait3A_226] : memref<32x100000xf32, #tpu.memory_space<hbm>> -> memref<32x128xf32, #tpu.memory_space<hbm>>
      %dma_wait3A_228 = arith.constant 0 : i32
      %dma_wait3A_229 = arith.constant 0 : i32
      %dma_wait3A_230 = tpu.memref_slice %arg5[%dma_wait3A_228, %dma_wait3A_229] : memref<32x100000xf32, #tpu.memory_space<hbm>> -> memref<32x128xf32, #tpu.memory_space<hbm>>
      tpu.wait_dma2 semaphore(%arg19 : memref<!tpu.dma_semaphore, #tpu.memory_space<semaphore_mem>>) src(%dma_wait3A_230 : memref<32x128xf32, #tpu.memory_space<hbm>>) dst(%arg11 : memref<32x128xf32, #tpu.memory_space<vmem>>)
      %gather3A_231 = tpu.vector_load_idx %arg11[%iota3A_224, %broadcast_in_dim3A_223] : memref<32x128xf32, #tpu.memory_space<vmem>>[vector<16xi32>, vector<16xi32>], vector<16xf32>,
      %add3A_232 = arith.constant 16 : i32
      %add3A_233 = vector.broadcast %add3A_232 : i32 to vector<16xi32>
      %add3A_234 = arith.addi %iota3A_224, %add3A_233 : vector<16xi32>
      %gather3A_235 = tpu.vector_load_idx %arg11[%add3A_234, %broadcast_in_dim3A_223] : memref<32x128xf32, #tpu.memory_space<vmem>>[vector<16xi32>, vector<16xi32>], vector<16xf32>,
      %swap3A_236 = arith.index_cast %add3A_216 : i32 to index
      %swap3A_237 = arith.constant 0 : index
      %swap3A_238 = tpu.vector_load %arg9[%swap3A_236, %swap3A_237] {strides = array<i32>} : memref<128x32xf32, #tpu.memory_space<vmem>>, vector<16xf32>,
      tpu.vector_store %arg9[%swap3A_236, %swap3A_237], %gather3A_231 {strides = array<i32>} : memref<128x32xf32, #tpu.memory_space<vmem>>, vector<16xf32>,
      %swap3A_239 = arith.index_cast %add3A_216 : i32 to index
      %swap3A_240 = arith.constant 16 : index
      %swap3A_241 = tpu.vector_load %arg9[%swap3A_239, %swap3A_240] {strides = array<i32>} : memref<128x32xf32, #tpu.memory_space<vmem>>, vector<16xf32>,
      tpu.vector_store %arg9[%swap3A_239, %swap3A_240], %gather3A_235 {strides = array<i32>} : memref<128x32xf32, #tpu.memory_space<vmem>>, vector<16xf32>,
      %add3A_242 = arith.constant 8 : i32
      %add3A_243 = arith.addi %add3A_216, %add3A_242 : i32
      %lt3A_244 = arith.constant 128 : i32
      %lt3A_245 = arith.cmpi slt, %add3A_243, %lt3A_244 : i32
      %convert_element_type3A_246 = arith.extui %lt3A_245 : i1 to i32
      %cond3A_247 = arith.constant 0 : i32
      %cond3A_248 = arith.cmpi ne, %convert_element_type3A_246, %cond3A_247 : i32
      scf.if %cond3A_248 {
        %get3A_465 = arith.index_cast %add3A_243 : i32 to index
        %get3A_466 = tpu.vector_load %arg8[%get3A_465] {strides = array<i32>} : memref<144xi32, #tpu.memory_space<vmem>>, vector<16xi32>,
        %slice3A_467 = vector.extract_strided_slice %get3A_466 {offsets = [0], sizes = [1], strides = [1]} : vector<16xi32> to vector<1xi32>
        %squeeze3A_468 = vector.extract %slice3A_467[0] : i32 from vector<1xi32>
        %and3A_469 = arith.constant -128 : i32
        %and3A_470 = arith.andi %squeeze3A_468, %and3A_469 : i32
        %multiple_of3A_471 = tpu.assume_multiple %and3A_470, 128 : i32
        %dma_start3A_472 = arith.constant 0 : i32
        %dma_start3A_473 = tpu.memref_slice %arg5[%dma_start3A_472, %multiple_of3A_471] : memref<32x100000xf32, #tpu.memory_space<hbm>> -> memref<32x128xf32, #tpu.memory_space<hbm>>
        %dma_start3A_474 = arith.constant 0 : i32
        %dma_start3A_475 = tpu.memref_slice %arg5[%dma_start3A_474, %multiple_of3A_471] : memref<32x100000xf32, #tpu.memory_space<hbm>> -> memref<32x128xf32, #tpu.memory_space<hbm>>
        tpu.enqueue_dma source(%dma_start3A_475 : memref<32x128xf32, #tpu.memory_space<hbm>>) target(%arg11 : memref<32x128xf32, #tpu.memory_space<vmem>>) target_semaphore(%arg19 : memref<!tpu.dma_semaphore, #tpu.memory_space<semaphore_mem>>)
      } else {
      }
      %mul3A_249 = arith.constant 8 : i32
      %mul3A_250 = arith.muli %scan3A_184, %mul3A_249 : i32
      %add3A_251 = arith.constant 2 : i32
      %add3A_252 = arith.addi %mul3A_250, %add3A_251 : i32
      %get3A_253 = arith.index_cast %add3A_252 : i32 to index
      %get3A_254 = tpu.vector_load %arg8[%get3A_253] {strides = array<i32>} : memref<144xi32, #tpu.memory_space<vmem>>, vector<16xi32>,
      %slice3A_255 = vector.extract_strided_slice %get3A_254 {offsets = [0], sizes = [1], strides = [1]} : vector<16xi32> to vector<1xi32>
      %squeeze3A_256 = vector.extract %slice3A_255[0] : i32 from vector<1xi32>
      %and3A_257 = arith.constant 127 : i32
      %and3A_258 = arith.andi %squeeze3A_256, %and3A_257 : i32
      %broadcast_in_dim3A_259 = vector.broadcast %and3A_258 : i32 to vector<16xi32>
      %iota3A_260 = tpu.iota {dimensions = array<i32: 0>} : vector<16xi32>
      %dma_wait3A_261 = arith.constant 0 : i32
      %dma_wait3A_262 = arith.constant 0 : i32
      %dma_wait3A_263 = tpu.memref_slice %arg5[%dma_wait3A_261, %dma_wait3A_262] : memref<32x100000xf32, #tpu.memory_space<hbm>> -> memref<32x128xf32, #tpu.memory_space<hbm>>
      %dma_wait3A_264 = arith.constant 0 : i32
      %dma_wait3A_265 = arith.constant 0 : i32
      %dma_wait3A_266 = tpu.memref_slice %arg5[%dma_wait3A_264, %dma_wait3A_265] : memref<32x100000xf32, #tpu.memory_space<hbm>> -> memref<32x128xf32, #tpu.memory_space<hbm>>
      tpu.wait_dma2 semaphore(%arg20 : memref<!tpu.dma_semaphore, #tpu.memory_space<semaphore_mem>>) src(%dma_wait3A_266 : memref<32x128xf32, #tpu.memory_space<hbm>>) dst(%arg12 : memref<32x128xf32, #tpu.memory_space<vmem>>)
      %gather3A_267 = tpu.vector_load_idx %arg12[%iota3A_260, %broadcast_in_dim3A_259] : memref<32x128xf32, #tpu.memory_space<vmem>>[vector<16xi32>, vector<16xi32>], vector<16xf32>,
      %add3A_268 = arith.constant 16 : i32
      %add3A_269 = vector.broadcast %add3A_268 : i32 to vector<16xi32>
      %add3A_270 = arith.addi %iota3A_260, %add3A_269 : vector<16xi32>
      %gather3A_271 = tpu.vector_load_idx %arg12[%add3A_270, %broadcast_in_dim3A_259] : memref<32x128xf32, #tpu.memory_space<vmem>>[vector<16xi32>, vector<16xi32>], vector<16xf32>,
      %swap3A_272 = arith.index_cast %add3A_252 : i32 to index
      %swap3A_273 = arith.constant 0 : index
      %swap3A_274 = tpu.vector_load %arg9[%swap3A_272, %swap3A_273] {strides = array<i32>} : memref<128x32xf32, #tpu.memory_space<vmem>>, vector<16xf32>,
      tpu.vector_store %arg9[%swap3A_272, %swap3A_273], %gather3A_267 {strides = array<i32>} : memref<128x32xf32, #tpu.memory_space<vmem>>, vector<16xf32>,
      %swap3A_275 = arith.index_cast %add3A_252 : i32 to index
      %swap3A_276 = arith.constant 16 : index
      %swap3A_277 = tpu.vector_load %arg9[%swap3A_275, %swap3A_276] {strides = array<i32>} : memref<128x32xf32, #tpu.memory_space<vmem>>, vector<16xf32>,
      tpu.vector_store %arg9[%swap3A_275, %swap3A_276], %gather3A_271 {strides = array<i32>} : memref<128x32xf32, #tpu.memory_space<vmem>>, vector<16xf32>,
      %add3A_278 = arith.constant 8 : i32
      %add3A_279 = arith.addi %add3A_252, %add3A_278 : i32
      %lt3A_280 = arith.constant 128 : i32
      %lt3A_281 = arith.cmpi slt, %add3A_279, %lt3A_280 : i32
      %convert_element_type3A_282 = arith.extui %lt3A_281 : i1 to i32
      %cond3A_283 = arith.constant 0 : i32
      %cond3A_284 = arith.cmpi ne, %convert_element_type3A_282, %cond3A_283 : i32
      scf.if %cond3A_284 {
        %get3A_465 = arith.index_cast %add3A_279 : i32 to index
        %get3A_466 = tpu.vector_load %arg8[%get3A_465] {strides = array<i32>} : memref<144xi32, #tpu.memory_space<vmem>>, vector<16xi32>,
        %slice3A_467 = vector.extract_strided_slice %get3A_466 {offsets = [0], sizes = [1], strides = [1]} : vector<16xi32> to vector<1xi32>
        %squeeze3A_468 = vector.extract %slice3A_467[0] : i32 from vector<1xi32>
        %and3A_469 = arith.constant -128 : i32
        %and3A_470 = arith.andi %squeeze3A_468, %and3A_469 : i32
        %multiple_of3A_471 = tpu.assume_multiple %and3A_470, 128 : i32
        %dma_start3A_472 = arith.constant 0 : i32
        %dma_start3A_473 = tpu.memref_slice %arg5[%dma_start3A_472, %multiple_of3A_471] : memref<32x100000xf32, #tpu.memory_space<hbm>> -> memref<32x128xf32, #tpu.memory_space<hbm>>
        %dma_start3A_474 = arith.constant 0 : i32
        %dma_start3A_475 = tpu.memref_slice %arg5[%dma_start3A_474, %multiple_of3A_471] : memref<32x100000xf32, #tpu.memory_space<hbm>> -> memref<32x128xf32, #tpu.memory_space<hbm>>
        tpu.enqueue_dma source(%dma_start3A_475 : memref<32x128xf32, #tpu.memory_space<hbm>>) target(%arg12 : memref<32x128xf32, #tpu.memory_space<vmem>>) target_semaphore(%arg20 : memref<!tpu.dma_semaphore, #tpu.memory_space<semaphore_mem>>)
      } else {
      }
      %mul3A_285 = arith.constant 8 : i32
      %mul3A_286 = arith.muli %scan3A_184, %mul3A_285 : i32
      %add3A_287 = arith.constant 3 : i32
      %add3A_288 = arith.addi %mul3A_286, %add3A_287 : i32
      %get3A_289 = arith.index_cast %add3A_288 : i32 to index
      %get3A_290 = tpu.vector_load %arg8[%get3A_289] {strides = array<i32>} : memref<144xi32, #tpu.memory_space<vmem>>, vector<16xi32>,
      %slice3A_291 = vector.extract_strided_slice %get3A_290 {offsets = [0], sizes = [1], strides = [1]} : vector<16xi32> to vector<1xi32>
      %squeeze3A_292 = vector.extract %slice3A_291[0] : i32 from vector<1xi32>
      %and3A_293 = arith.constant 127 : i32
      %and3A_294 = arith.andi %squeeze3A_292, %and3A_293 : i32
      %broadcast_in_dim3A_295 = vector.broadcast %and3A_294 : i32 to vector<16xi32>
      %iota3A_296 = tpu.iota {dimensions = array<i32: 0>} : vector<16xi32>
      %dma_wait3A_297 = arith.constant 0 : i32
      %dma_wait3A_298 = arith.constant 0 : i32
      %dma_wait3A_299 = tpu.memref_slice %arg5[%dma_wait3A_297, %dma_wait3A_298] : memref<32x100000xf32, #tpu.memory_space<hbm>> -> memref<32x128xf32, #tpu.memory_space<hbm>>
      %dma_wait3A_300 = arith.constant 0 : i32
      %dma_wait3A_301 = arith.constant 0 : i32
      %dma_wait3A_302 = tpu.memref_slice %arg5[%dma_wait3A_300, %dma_wait3A_301] : memref<32x100000xf32, #tpu.memory_space<hbm>> -> memref<32x128xf32, #tpu.memory_space<hbm>>
      tpu.wait_dma2 semaphore(%arg21 : memref<!tpu.dma_semaphore, #tpu.memory_space<semaphore_mem>>) src(%dma_wait3A_302 : memref<32x128xf32, #tpu.memory_space<hbm>>) dst(%arg13 : memref<32x128xf32, #tpu.memory_space<vmem>>)
      %gather3A_303 = tpu.vector_load_idx %arg13[%iota3A_296, %broadcast_in_dim3A_295] : memref<32x128xf32, #tpu.memory_space<vmem>>[vector<16xi32>, vector<16xi32>], vector<16xf32>,
      %add3A_304 = arith.constant 16 : i32
      %add3A_305 = vector.broadcast %add3A_304 : i32 to vector<16xi32>
      %add3A_306 = arith.addi %iota3A_296, %add3A_305 : vector<16xi32>
      %gather3A_307 = tpu.vector_load_idx %arg13[%add3A_306, %broadcast_in_dim3A_295] : memref<32x128xf32, #tpu.memory_space<vmem>>[vector<16xi32>, vector<16xi32>], vector<16xf32>,
      %swap3A_308 = arith.index_cast %add3A_288 : i32 to index
      %swap3A_309 = arith.constant 0 : index
      %swap3A_310 = tpu.vector_load %arg9[%swap3A_308, %swap3A_309] {strides = array<i32>} : memref<128x32xf32, #tpu.memory_space<vmem>>, vector<16xf32>,
      tpu.vector_store %arg9[%swap3A_308, %swap3A_309], %gather3A_303 {strides = array<i32>} : memref<128x32xf32, #tpu.memory_space<vmem>>, vector<16xf32>,
      %swap3A_311 = arith.index_cast %add3A_288 : i32 to index
      %swap3A_312 = arith.constant 16 : index
      %swap3A_313 = tpu.vector_load %arg9[%swap3A_311, %swap3A_312] {strides = array<i32>} : memref<128x32xf32, #tpu.memory_space<vmem>>, vector<16xf32>,
      tpu.vector_store %arg9[%swap3A_311, %swap3A_312], %gather3A_307 {strides = array<i32>} : memref<128x32xf32, #tpu.memory_space<vmem>>, vector<16xf32>,
      %add3A_314 = arith.constant 8 : i32
      %add3A_315 = arith.addi %add3A_288, %add3A_314 : i32
      %lt3A_316 = arith.constant 128 : i32
      %lt3A_317 = arith.cmpi slt, %add3A_315, %lt3A_316 : i32
      %convert_element_type3A_318 = arith.extui %lt3A_317 : i1 to i32
      %cond3A_319 = arith.constant 0 : i32
      %cond3A_320 = arith.cmpi ne, %convert_element_type3A_318, %cond3A_319 : i32
      scf.if %cond3A_320 {
        %get3A_465 = arith.index_cast %add3A_315 : i32 to index
        %get3A_466 = tpu.vector_load %arg8[%get3A_465] {strides = array<i32>} : memref<144xi32, #tpu.memory_space<vmem>>, vector<16xi32>,
        %slice3A_467 = vector.extract_strided_slice %get3A_466 {offsets = [0], sizes = [1], strides = [1]} : vector<16xi32> to vector<1xi32>
        %squeeze3A_468 = vector.extract %slice3A_467[0] : i32 from vector<1xi32>
        %and3A_469 = arith.constant -128 : i32
        %and3A_470 = arith.andi %squeeze3A_468, %and3A_469 : i32
        %multiple_of3A_471 = tpu.assume_multiple %and3A_470, 128 : i32
        %dma_start3A_472 = arith.constant 0 : i32
        %dma_start3A_473 = tpu.memref_slice %arg5[%dma_start3A_472, %multiple_of3A_471] : memref<32x100000xf32, #tpu.memory_space<hbm>> -> memref<32x128xf32, #tpu.memory_space<hbm>>
        %dma_start3A_474 = arith.constant 0 : i32
        %dma_start3A_475 = tpu.memref_slice %arg5[%dma_start3A_474, %multiple_of3A_471] : memref<32x100000xf32, #tpu.memory_space<hbm>> -> memref<32x128xf32, #tpu.memory_space<hbm>>
        tpu.enqueue_dma source(%dma_start3A_475 : memref<32x128xf32, #tpu.memory_space<hbm>>) target(%arg13 : memref<32x128xf32, #tpu.memory_space<vmem>>) target_semaphore(%arg21 : memref<!tpu.dma_semaphore, #tpu.memory_space<semaphore_mem>>)
      } else {
      }
      %mul3A_321 = arith.constant 8 : i32
      %mul3A_322 = arith.muli %scan3A_184, %mul3A_321 : i32
      %add3A_323 = arith.constant 4 : i32
      %add3A_324 = arith.addi %mul3A_322, %add3A_323 : i32
      %get3A_325 = arith.index_cast %add3A_324 : i32 to index
      %get3A_326 = tpu.vector_load %arg8[%get3A_325] {strides = array<i32>} : memref<144xi32, #tpu.memory_space<vmem>>, vector<16xi32>,
      %slice3A_327 = vector.extract_strided_slice %get3A_326 {offsets = [0], sizes = [1], strides = [1]} : vector<16xi32> to vector<1xi32>
      %squeeze3A_328 = vector.extract %slice3A_327[0] : i32 from vector<1xi32>
      %and3A_329 = arith.constant 127 : i32
      %and3A_330 = arith.andi %squeeze3A_328, %and3A_329 : i32
      %broadcast_in_dim3A_331 = vector.broadcast %and3A_330 : i32 to vector<16xi32>
      %iota3A_332 = tpu.iota {dimensions = array<i32: 0>} : vector<16xi32>
      %dma_wait3A_333 = arith.constant 0 : i32
      %dma_wait3A_334 = arith.constant 0 : i32
      %dma_wait3A_335 = tpu.memref_slice %arg5[%dma_wait3A_333, %dma_wait3A_334] : memref<32x100000xf32, #tpu.memory_space<hbm>> -> memref<32x128xf32, #tpu.memory_space<hbm>>
      %dma_wait3A_336 = arith.constant 0 : i32
      %dma_wait3A_337 = arith.constant 0 : i32
      %dma_wait3A_338 = tpu.memref_slice %arg5[%dma_wait3A_336, %dma_wait3A_337] : memref<32x100000xf32, #tpu.memory_space<hbm>> -> memref<32x128xf32, #tpu.memory_space<hbm>>
      tpu.wait_dma2 semaphore(%arg22 : memref<!tpu.dma_semaphore, #tpu.memory_space<semaphore_mem>>) src(%dma_wait3A_338 : memref<32x128xf32, #tpu.memory_space<hbm>>) dst(%arg14 : memref<32x128xf32, #tpu.memory_space<vmem>>)
      %gather3A_339 = tpu.vector_load_idx %arg14[%iota3A_332, %broadcast_in_dim3A_331] : memref<32x128xf32, #tpu.memory_space<vmem>>[vector<16xi32>, vector<16xi32>], vector<16xf32>,
      %add3A_340 = arith.constant 16 : i32
      %add3A_341 = vector.broadcast %add3A_340 : i32 to vector<16xi32>
      %add3A_342 = arith.addi %iota3A_332, %add3A_341 : vector<16xi32>
      %gather3A_343 = tpu.vector_load_idx %arg14[%add3A_342, %broadcast_in_dim3A_331] : memref<32x128xf32, #tpu.memory_space<vmem>>[vector<16xi32>, vector<16xi32>], vector<16xf32>,
      %swap3A_344 = arith.index_cast %add3A_324 : i32 to index
      %swap3A_345 = arith.constant 0 : index
      %swap3A_346 = tpu.vector_load %arg9[%swap3A_344, %swap3A_345] {strides = array<i32>} : memref<128x32xf32, #tpu.memory_space<vmem>>, vector<16xf32>,
      tpu.vector_store %arg9[%swap3A_344, %swap3A_345], %gather3A_339 {strides = array<i32>} : memref<128x32xf32, #tpu.memory_space<vmem>>, vector<16xf32>,
      %swap3A_347 = arith.index_cast %add3A_324 : i32 to index
      %swap3A_348 = arith.constant 16 : index
      %swap3A_349 = tpu.vector_load %arg9[%swap3A_347, %swap3A_348] {strides = array<i32>} : memref<128x32xf32, #tpu.memory_space<vmem>>, vector<16xf32>,
      tpu.vector_store %arg9[%swap3A_347, %swap3A_348], %gather3A_343 {strides = array<i32>} : memref<128x32xf32, #tpu.memory_space<vmem>>, vector<16xf32>,
      %add3A_350 = arith.constant 8 : i32
      %add3A_351 = arith.addi %add3A_324, %add3A_350 : i32
      %lt3A_352 = arith.constant 128 : i32
      %lt3A_353 = arith.cmpi slt, %add3A_351, %lt3A_352 : i32
      %convert_element_type3A_354 = arith.extui %lt3A_353 : i1 to i32
      %cond3A_355 = arith.constant 0 : i32
      %cond3A_356 = arith.cmpi ne, %convert_element_type3A_354, %cond3A_355 : i32
      scf.if %cond3A_356 {
        %get3A_465 = arith.index_cast %add3A_351 : i32 to index
        %get3A_466 = tpu.vector_load %arg8[%get3A_465] {strides = array<i32>} : memref<144xi32, #tpu.memory_space<vmem>>, vector<16xi32>,
        %slice3A_467 = vector.extract_strided_slice %get3A_466 {offsets = [0], sizes = [1], strides = [1]} : vector<16xi32> to vector<1xi32>
        %squeeze3A_468 = vector.extract %slice3A_467[0] : i32 from vector<1xi32>
        %and3A_469 = arith.constant -128 : i32
        %and3A_470 = arith.andi %squeeze3A_468, %and3A_469 : i32
        %multiple_of3A_471 = tpu.assume_multiple %and3A_470, 128 : i32
        %dma_start3A_472 = arith.constant 0 : i32
        %dma_start3A_473 = tpu.memref_slice %arg5[%dma_start3A_472, %multiple_of3A_471] : memref<32x100000xf32, #tpu.memory_space<hbm>> -> memref<32x128xf32, #tpu.memory_space<hbm>>
        %dma_start3A_474 = arith.constant 0 : i32
        %dma_start3A_475 = tpu.memref_slice %arg5[%dma_start3A_474, %multiple_of3A_471] : memref<32x100000xf32, #tpu.memory_space<hbm>> -> memref<32x128xf32, #tpu.memory_space<hbm>>
        tpu.enqueue_dma source(%dma_start3A_475 : memref<32x128xf32, #tpu.memory_space<hbm>>) target(%arg14 : memref<32x128xf32, #tpu.memory_space<vmem>>) target_semaphore(%arg22 : memref<!tpu.dma_semaphore, #tpu.memory_space<semaphore_mem>>)
      } else {
      }
      %mul3A_357 = arith.constant 8 : i32
      %mul3A_358 = arith.muli %scan3A_184, %mul3A_357 : i32
      %add3A_359 = arith.constant 5 : i32
      %add3A_360 = arith.addi %mul3A_358, %add3A_359 : i32
      %get3A_361 = arith.index_cast %add3A_360 : i32 to index
      %get3A_362 = tpu.vector_load %arg8[%get3A_361] {strides = array<i32>} : memref<144xi32, #tpu.memory_space<vmem>>, vector<16xi32>,
      %slice3A_363 = vector.extract_strided_slice %get3A_362 {offsets = [0], sizes = [1], strides = [1]} : vector<16xi32> to vector<1xi32>
      %squeeze3A_364 = vector.extract %slice3A_363[0] : i32 from vector<1xi32>
      %and3A_365 = arith.constant 127 : i32
      %and3A_366 = arith.andi %squeeze3A_364, %and3A_365 : i32
      %broadcast_in_dim3A_367 = vector.broadcast %and3A_366 : i32 to vector<16xi32>
      %iota3A_368 = tpu.iota {dimensions = array<i32: 0>} : vector<16xi32>
      %dma_wait3A_369 = arith.constant 0 : i32
      %dma_wait3A_370 = arith.constant 0 : i32
      %dma_wait3A_371 = tpu.memref_slice %arg5[%dma_wait3A_369, %dma_wait3A_370] : memref<32x100000xf32, #tpu.memory_space<hbm>> -> memref<32x128xf32, #tpu.memory_space<hbm>>
      %dma_wait3A_372 = arith.constant 0 : i32
      %dma_wait3A_373 = arith.constant 0 : i32
      %dma_wait3A_374 = tpu.memref_slice %arg5[%dma_wait3A_372, %dma_wait3A_373] : memref<32x100000xf32, #tpu.memory_space<hbm>> -> memref<32x128xf32, #tpu.memory_space<hbm>>
      tpu.wait_dma2 semaphore(%arg23 : memref<!tpu.dma_semaphore, #tpu.memory_space<semaphore_mem>>) src(%dma_wait3A_374 : memref<32x128xf32, #tpu.memory_space<hbm>>) dst(%arg15 : memref<32x128xf32, #tpu.memory_space<vmem>>)
      %gather3A_375 = tpu.vector_load_idx %arg15[%iota3A_368, %broadcast_in_dim3A_367] : memref<32x128xf32, #tpu.memory_space<vmem>>[vector<16xi32>, vector<16xi32>], vector<16xf32>,
      %add3A_376 = arith.constant 16 : i32
      %add3A_377 = vector.broadcast %add3A_376 : i32 to vector<16xi32>
      %add3A_378 = arith.addi %iota3A_368, %add3A_377 : vector<16xi32>
      %gather3A_379 = tpu.vector_load_idx %arg15[%add3A_378, %broadcast_in_dim3A_367] : memref<32x128xf32, #tpu.memory_space<vmem>>[vector<16xi32>, vector<16xi32>], vector<16xf32>,
      %swap3A_380 = arith.index_cast %add3A_360 : i32 to index
      %swap3A_381 = arith.constant 0 : index
      %swap3A_382 = tpu.vector_load %arg9[%swap3A_380, %swap3A_381] {strides = array<i32>} : memref<128x32xf32, #tpu.memory_space<vmem>>, vector<16xf32>,
      tpu.vector_store %arg9[%swap3A_380, %swap3A_381], %gather3A_375 {strides = array<i32>} : memref<128x32xf32, #tpu.memory_space<vmem>>, vector<16xf32>,
      %swap3A_383 = arith.index_cast %add3A_360 : i32 to index
      %swap3A_384 = arith.constant 16 : index
      %swap3A_385 = tpu.vector_load %arg9[%swap3A_383, %swap3A_384] {strides = array<i32>} : memref<128x32xf32, #tpu.memory_space<vmem>>, vector<16xf32>,
      tpu.vector_store %arg9[%swap3A_383, %swap3A_384], %gather3A_379 {strides = array<i32>} : memref<128x32xf32, #tpu.memory_space<vmem>>, vector<16xf32>,
      %add3A_386 = arith.constant 8 : i32
      %add3A_387 = arith.addi %add3A_360, %add3A_386 : i32
      %lt3A_388 = arith.constant 128 : i32
      %lt3A_389 = arith.cmpi slt, %add3A_387, %lt3A_388 : i32
      %convert_element_type3A_390 = arith.extui %lt3A_389 : i1 to i32
      %cond3A_391 = arith.constant 0 : i32
      %cond3A_392 = arith.cmpi ne, %convert_element_type3A_390, %cond3A_391 : i32
      scf.if %cond3A_392 {
        %get3A_465 = arith.index_cast %add3A_387 : i32 to index
        %get3A_466 = tpu.vector_load %arg8[%get3A_465] {strides = array<i32>} : memref<144xi32, #tpu.memory_space<vmem>>, vector<16xi32>,
        %slice3A_467 = vector.extract_strided_slice %get3A_466 {offsets = [0], sizes = [1], strides = [1]} : vector<16xi32> to vector<1xi32>
        %squeeze3A_468 = vector.extract %slice3A_467[0] : i32 from vector<1xi32>
        %and3A_469 = arith.constant -128 : i32
        %and3A_470 = arith.andi %squeeze3A_468, %and3A_469 : i32
        %multiple_of3A_471 = tpu.assume_multiple %and3A_470, 128 : i32
        %dma_start3A_472 = arith.constant 0 : i32
        %dma_start3A_473 = tpu.memref_slice %arg5[%dma_start3A_472, %multiple_of3A_471] : memref<32x100000xf32, #tpu.memory_space<hbm>> -> memref<32x128xf32, #tpu.memory_space<hbm>>
        %dma_start3A_474 = arith.constant 0 : i32
        %dma_start3A_475 = tpu.memref_slice %arg5[%dma_start3A_474, %multiple_of3A_471] : memref<32x100000xf32, #tpu.memory_space<hbm>> -> memref<32x128xf32, #tpu.memory_space<hbm>>
        tpu.enqueue_dma source(%dma_start3A_475 : memref<32x128xf32, #tpu.memory_space<hbm>>) target(%arg15 : memref<32x128xf32, #tpu.memory_space<vmem>>) target_semaphore(%arg23 : memref<!tpu.dma_semaphore, #tpu.memory_space<semaphore_mem>>)
      } else {
      }
      %mul3A_393 = arith.constant 8 : i32
      %mul3A_394 = arith.muli %scan3A_184, %mul3A_393 : i32
      %add3A_395 = arith.constant 6 : i32
      %add3A_396 = arith.addi %mul3A_394, %add3A_395 : i32
      %get3A_397 = arith.index_cast %add3A_396 : i32 to index
      %get3A_398 = tpu.vector_load %arg8[%get3A_397] {strides = array<i32>} : memref<144xi32, #tpu.memory_space<vmem>>, vector<16xi32>,
      %slice3A_399 = vector.extract_strided_slice %get3A_398 {offsets = [0], sizes = [1], strides = [1]} : vector<16xi32> to vector<1xi32>
      %squeeze3A_400 = vector.extract %slice3A_399[0] : i32 from vector<1xi32>
      %and3A_401 = arith.constant 127 : i32
      %and3A_402 = arith.andi %squeeze3A_400, %and3A_401 : i32
      %broadcast_in_dim3A_403 = vector.broadcast %and3A_402 : i32 to vector<16xi32>
      %iota3A_404 = tpu.iota {dimensions = array<i32: 0>} : vector<16xi32>
      %dma_wait3A_405 = arith.constant 0 : i32
      %dma_wait3A_406 = arith.constant 0 : i32
      %dma_wait3A_407 = tpu.memref_slice %arg5[%dma_wait3A_405, %dma_wait3A_406] : memref<32x100000xf32, #tpu.memory_space<hbm>> -> memref<32x128xf32, #tpu.memory_space<hbm>>
      %dma_wait3A_408 = arith.constant 0 : i32
      %dma_wait3A_409 = arith.constant 0 : i32
      %dma_wait3A_410 = tpu.memref_slice %arg5[%dma_wait3A_408, %dma_wait3A_409] : memref<32x100000xf32, #tpu.memory_space<hbm>> -> memref<32x128xf32, #tpu.memory_space<hbm>>
      tpu.wait_dma2 semaphore(%arg24 : memref<!tpu.dma_semaphore, #tpu.memory_space<semaphore_mem>>) src(%dma_wait3A_410 : memref<32x128xf32, #tpu.memory_space<hbm>>) dst(%arg16 : memref<32x128xf32, #tpu.memory_space<vmem>>)
      %gather3A_411 = tpu.vector_load_idx %arg16[%iota3A_404, %broadcast_in_dim3A_403] : memref<32x128xf32, #tpu.memory_space<vmem>>[vector<16xi32>, vector<16xi32>], vector<16xf32>,
      %add3A_412 = arith.constant 16 : i32
      %add3A_413 = vector.broadcast %add3A_412 : i32 to vector<16xi32>
      %add3A_414 = arith.addi %iota3A_404, %add3A_413 : vector<16xi32>
      %gather3A_415 = tpu.vector_load_idx %arg16[%add3A_414, %broadcast_in_dim3A_403] : memref<32x128xf32, #tpu.memory_space<vmem>>[vector<16xi32>, vector<16xi32>], vector<16xf32>,
      %swap3A_416 = arith.index_cast %add3A_396 : i32 to index
      %swap3A_417 = arith.constant 0 : index
      %swap3A_418 = tpu.vector_load %arg9[%swap3A_416, %swap3A_417] {strides = array<i32>} : memref<128x32xf32, #tpu.memory_space<vmem>>, vector<16xf32>,
      tpu.vector_store %arg9[%swap3A_416, %swap3A_417], %gather3A_411 {strides = array<i32>} : memref<128x32xf32, #tpu.memory_space<vmem>>, vector<16xf32>,
      %swap3A_419 = arith.index_cast %add3A_396 : i32 to index
      %swap3A_420 = arith.constant 16 : index
      %swap3A_421 = tpu.vector_load %arg9[%swap3A_419, %swap3A_420] {strides = array<i32>} : memref<128x32xf32, #tpu.memory_space<vmem>>, vector<16xf32>,
      tpu.vector_store %arg9[%swap3A_419, %swap3A_420], %gather3A_415 {strides = array<i32>} : memref<128x32xf32, #tpu.memory_space<vmem>>, vector<16xf32>,
      %add3A_422 = arith.constant 8 : i32
      %add3A_423 = arith.addi %add3A_396, %add3A_422 : i32
      %lt3A_424 = arith.constant 128 : i32
      %lt3A_425 = arith.cmpi slt, %add3A_423, %lt3A_424 : i32
      %convert_element_type3A_426 = arith.extui %lt3A_425 : i1 to i32
      %cond3A_427 = arith.constant 0 : i32
      %cond3A_428 = arith.cmpi ne, %convert_element_type3A_426, %cond3A_427 : i32
      scf.if %cond3A_428 {
        %get3A_465 = arith.index_cast %add3A_423 : i32 to index
        %get3A_466 = tpu.vector_load %arg8[%get3A_465] {strides = array<i32>} : memref<144xi32, #tpu.memory_space<vmem>>, vector<16xi32>,
        %slice3A_467 = vector.extract_strided_slice %get3A_466 {offsets = [0], sizes = [1], strides = [1]} : vector<16xi32> to vector<1xi32>
        %squeeze3A_468 = vector.extract %slice3A_467[0] : i32 from vector<1xi32>
        %and3A_469 = arith.constant -128 : i32
        %and3A_470 = arith.andi %squeeze3A_468, %and3A_469 : i32
        %multiple_of3A_471 = tpu.assume_multiple %and3A_470, 128 : i32
        %dma_start3A_472 = arith.constant 0 : i32
        %dma_start3A_473 = tpu.memref_slice %arg5[%dma_start3A_472, %multiple_of3A_471] : memref<32x100000xf32, #tpu.memory_space<hbm>> -> memref<32x128xf32, #tpu.memory_space<hbm>>
        %dma_start3A_474 = arith.constant 0 : i32
        %dma_start3A_475 = tpu.memref_slice %arg5[%dma_start3A_474, %multiple_of3A_471] : memref<32x100000xf32, #tpu.memory_space<hbm>> -> memref<32x128xf32, #tpu.memory_space<hbm>>
        tpu.enqueue_dma source(%dma_start3A_475 : memref<32x128xf32, #tpu.memory_space<hbm>>) target(%arg16 : memref<32x128xf32, #tpu.memory_space<vmem>>) target_semaphore(%arg24 : memref<!tpu.dma_semaphore, #tpu.memory_space<semaphore_mem>>)
      } else {
      }
      %mul3A_429 = arith.constant 8 : i32
      %mul3A_430 = arith.muli %scan3A_184, %mul3A_429 : i32
      %add3A_431 = arith.constant 7 : i32
      %add3A_432 = arith.addi %mul3A_430, %add3A_431 : i32
      %get3A_433 = arith.index_cast %add3A_432 : i32 to index
      %get3A_434 = tpu.vector_load %arg8[%get3A_433] {strides = array<i32>} : memref<144xi32, #tpu.memory_space<vmem>>, vector<16xi32>,
      %slice3A_435 = vector.extract_strided_slice %get3A_434 {offsets = [0], sizes = [1], strides = [1]} : vector<16xi32> to vector<1xi32>
      %squeeze3A_436 = vector.extract %slice3A_435[0] : i32 from vector<1xi32>
      %and3A_437 = arith.constant 127 : i32
      %and3A_438 = arith.andi %squeeze3A_436, %and3A_437 : i32
      %broadcast_in_dim3A_439 = vector.broadcast %and3A_438 : i32 to vector<16xi32>
      %iota3A_440 = tpu.iota {dimensions = array<i32: 0>} : vector<16xi32>
      %dma_wait3A_441 = arith.constant 0 : i32
      %dma_wait3A_442 = arith.constant 0 : i32
      %dma_wait3A_443 = tpu.memref_slice %arg5[%dma_wait3A_441, %dma_wait3A_442] : memref<32x100000xf32, #tpu.memory_space<hbm>> -> memref<32x128xf32, #tpu.memory_space<hbm>>
      %dma_wait3A_444 = arith.constant 0 : i32
      %dma_wait3A_445 = arith.constant 0 : i32
      %dma_wait3A_446 = tpu.memref_slice %arg5[%dma_wait3A_444, %dma_wait3A_445] : memref<32x100000xf32, #tpu.memory_space<hbm>> -> memref<32x128xf32, #tpu.memory_space<hbm>>
      tpu.wait_dma2 semaphore(%arg25 : memref<!tpu.dma_semaphore, #tpu.memory_space<semaphore_mem>>) src(%dma_wait3A_446 : memref<32x128xf32, #tpu.memory_space<hbm>>) dst(%arg17 : memref<32x128xf32, #tpu.memory_space<vmem>>)
      %gather3A_447 = tpu.vector_load_idx %arg17[%iota3A_440, %broadcast_in_dim3A_439] : memref<32x128xf32, #tpu.memory_space<vmem>>[vector<16xi32>, vector<16xi32>], vector<16xf32>,
      %add3A_448 = arith.constant 16 : i32
      %add3A_449 = vector.broadcast %add3A_448 : i32 to vector<16xi32>
      %add3A_450 = arith.addi %iota3A_440, %add3A_449 : vector<16xi32>
      %gather3A_451 = tpu.vector_load_idx %arg17[%add3A_450, %broadcast_in_dim3A_439] : memref<32x128xf32, #tpu.memory_space<vmem>>[vector<16xi32>, vector<16xi32>], vector<16xf32>,
      %swap3A_452 = arith.index_cast %add3A_432 : i32 to index
      %swap3A_453 = arith.constant 0 : index
      %swap3A_454 = tpu.vector_load %arg9[%swap3A_452, %swap3A_453] {strides = array<i32>} : memref<128x32xf32, #tpu.memory_space<vmem>>, vector<16xf32>,
      tpu.vector_store %arg9[%swap3A_452, %swap3A_453], %gather3A_447 {strides = array<i32>} : memref<128x32xf32, #tpu.memory_space<vmem>>, vector<16xf32>,
      %swap3A_455 = arith.index_cast %add3A_432 : i32 to index
      %swap3A_456 = arith.constant 16 : index
      %swap3A_457 = tpu.vector_load %arg9[%swap3A_455, %swap3A_456] {strides = array<i32>} : memref<128x32xf32, #tpu.memory_space<vmem>>, vector<16xf32>,
      tpu.vector_store %arg9[%swap3A_455, %swap3A_456], %gather3A_451 {strides = array<i32>} : memref<128x32xf32, #tpu.memory_space<vmem>>, vector<16xf32>,
      %add3A_458 = arith.constant 8 : i32
      %add3A_459 = arith.addi %add3A_432, %add3A_458 : i32
      %lt3A_460 = arith.constant 128 : i32
      %lt3A_461 = arith.cmpi slt, %add3A_459, %lt3A_460 : i32
      %convert_element_type3A_462 = arith.extui %lt3A_461 : i1 to i32
      %cond3A_463 = arith.constant 0 : i32
      %cond3A_464 = arith.cmpi ne, %convert_element_type3A_462, %cond3A_463 : i32
      scf.if %cond3A_464 {
        %get3A_465 = arith.index_cast %add3A_459 : i32 to index
        %get3A_466 = tpu.vector_load %arg8[%get3A_465] {strides = array<i32>} : memref<144xi32, #tpu.memory_space<vmem>>, vector<16xi32>,
        %slice3A_467 = vector.extract_strided_slice %get3A_466 {offsets = [0], sizes = [1], strides = [1]} : vector<16xi32> to vector<1xi32>
        %squeeze3A_468 = vector.extract %slice3A_467[0] : i32 from vector<1xi32>
        %and3A_469 = arith.constant -128 : i32
        %and3A_470 = arith.andi %squeeze3A_468, %and3A_469 : i32
        %multiple_of3A_471 = tpu.assume_multiple %and3A_470, 128 : i32
        %dma_start3A_472 = arith.constant 0 : i32
        %dma_start3A_473 = tpu.memref_slice %arg5[%dma_start3A_472, %multiple_of3A_471] : memref<32x100000xf32, #tpu.memory_space<hbm>> -> memref<32x128xf32, #tpu.memory_space<hbm>>
        %dma_start3A_474 = arith.constant 0 : i32
        %dma_start3A_475 = tpu.memref_slice %arg5[%dma_start3A_474, %multiple_of3A_471] : memref<32x100000xf32, #tpu.memory_space<hbm>> -> memref<32x128xf32, #tpu.memory_space<hbm>>
        tpu.enqueue_dma source(%dma_start3A_475 : memref<32x128xf32, #tpu.memory_space<hbm>>) target(%arg17 : memref<32x128xf32, #tpu.memory_space<vmem>>) target_semaphore(%arg25 : memref<!tpu.dma_semaphore, #tpu.memory_space<semaphore_mem>>)
      } else {
      }
    }
    %scan3A_183 = arith.constant 16 : i32
    "tpu.region"() ({
      %run_scoped3A = tpu.sem_alloc : memref<!tpu.dma_semaphore, #tpu.memory_space<semaphore_mem>>
      %dma_start3A_184 = arith.constant 0 : i32
      %dma_start3A_185 = tpu.memref_slice %arg7[%mul3A_2, %dma_start3A_184] : memref<4096x32xf32, #tpu.memory_space<hbm>> -> memref<128x32xf32, #tpu.memory_space<hbm>>
      %dma_start3A_186 = arith.constant 0 : i32
      %dma_start3A_187 = tpu.memref_slice %arg7[%mul3A_2, %dma_start3A_186] : memref<4096x32xf32, #tpu.memory_space<hbm>> -> memref<128x32xf32, #tpu.memory_space<hbm>>
      tpu.enqueue_dma source(%arg9 : memref<128x32xf32, #tpu.memory_space<vmem>>) target(%dma_start3A_187 : memref<128x32xf32, #tpu.memory_space<hbm>>) target_semaphore(%run_scoped3A : memref<!tpu.dma_semaphore, #tpu.memory_space<semaphore_mem>>)
      %dma_wait3A = arith.constant 0 : i32
      %dma_wait3A_188 = tpu.memref_slice %arg7[%mul3A_2, %dma_wait3A] : memref<4096x32xf32, #tpu.memory_space<hbm>> -> memref<128x32xf32, #tpu.memory_space<hbm>>
      %dma_wait3A_189 = arith.constant 0 : i32
      %dma_wait3A_190 = tpu.memref_slice %arg7[%mul3A_2, %dma_wait3A_189] : memref<4096x32xf32, #tpu.memory_space<hbm>> -> memref<128x32xf32, #tpu.memory_space<hbm>>
      tpu.wait_dma2 semaphore(%run_scoped3A : memref<!tpu.dma_semaphore, #tpu.memory_space<semaphore_mem>>) src(%arg9 : memref<128x32xf32, #tpu.memory_space<vmem>>) dst(%dma_wait3A_190 : memref<128x32xf32, #tpu.memory_space<hbm>>)
      tpu.yield
    }) : () -> ()
    return
  }
}

module attributes {stable_mosaic.version = 14 : i64} {
  func.func @_matmul_body(%arg0: i32, %arg1: memref<1024x32xf32, #tpu.memory_space<vmem>>, %arg2: memref<4096x32xf32, #tpu.memory_space<vmem>>, %arg3: memref<1024x4096xf32, #tpu.memory_space<vmem>>) attributes {dimension_semantics = [#tpu.dimension_semantics<arbitrary>], iteration_bounds = array<i64: 4>, scalar_prefetch = 0 : i64, scratch_operands = 0 : i64, tpu.core_type = #tpu.core_type<tc>, window_params = [{transform_indices = @transform_0, window_bounds = array<i64: 1024, 32>}, {pipeline_mode = #tpu.pipeline_mode<synchronous>, transform_indices = @transform_1, window_bounds = array<i64: 4096, 32>}, {transform_indices = @transform_2, window_bounds = array<i64: 1024, 4096>}]} {
    %get3A = arith.constant 0 : index
    %get3A_0 = arith.constant 0 : index
    %get3A_1 = vector.load %arg1[%get3A, %get3A_0] : memref<1024x32xf32, #tpu.memory_space<vmem>>, vector<1024x32xf32>
    %get3A_2 = arith.constant 0 : index
    %get3A_3 = arith.constant 0 : index
    %get3A_4 = vector.load %arg2[%get3A_2, %get3A_3] : memref<4096x32xf32, #tpu.memory_space<vmem>>, vector<4096x32xf32>
    %dot_general3A = arith.constant dense<0.000000e+00> : vector<1024x4096xf32>
    %dot_general3A_5 = tpu.matmul %get3A_1, %get3A_4, %dot_general3A {dimension_numbers = #tpu.dot_dimension_numbers<[1], [1], [0], [0], [0, 0, 1, 0], [], []>, transpose_lhs_hint = false} : vector<1024x32xf32>, vector<4096x32xf32>, vector<1024x4096xf32> -> vector<1024x4096xf32>
    %swap3A = arith.constant 0 : index
    %swap3A_6 = arith.constant 0 : index
    %swap3A_7 = vector.load %arg3[%swap3A, %swap3A_6] : memref<1024x4096xf32, #tpu.memory_space<vmem>>, vector<1024x4096xf32>
    tpu.vector_store %arg3[%swap3A, %swap3A_6], %dot_general3A_5 {strides = array<i32>} : memref<1024x4096xf32, #tpu.memory_space<vmem>>, vector<1024x4096xf32>,
    return
  }
  func.func @transform_0(%arg0: i32) -> (i32, i32) {
    %c0_i32 = arith.constant 0 : i32
    %c0_i32_0 = arith.constant 0 : i32
    return %arg0, %c0_i32 : i32, i32
  }
  func.func @transform_1(%arg0: i32) -> (i32, i32) {
    %c0_i32 = arith.constant 0 : i32
    %c0_i32_0 = arith.constant 0 : i32
    %c0_i32_1 = arith.constant 0 : i32
    return %c0_i32, %c0_i32_0 : i32, i32
  }
  func.func @transform_2(%arg0: i32) -> (i32, i32) {
    %c0_i32 = arith.constant 0 : i32
    %c0_i32_0 = arith.constant 0 : i32
    return %arg0, %c0_i32 : i32, i32
  }
}

</mosaic_0001>

<sc_bundles>
// kernel: kernel.4.cloned.1.call-start
scs
__scs_entry_jumppad:
0x0: {  	(pc) =	sbr.rel $0x88, $3  }
0x1: {  	(tag) =	ssettag $0x0;
	lr =	simm.s32 $0x1  }
0x2: {  	[smem:$0x3F9D] =	sst lr;
	_ =	strace $0xD0000000  }
0x3: {  	_ = 	snop  }
0x4: {  	_ = 	snop  }
0x5: {  	_ = 	snop  }
0x6: {  	_ = 	snop  }
0x7: {  	_ = 	snop  }
__scs_overlays_trampoline_lowered:
0x8: {  	[smem:$0x3FAC] =	sst s0  }
0x9: {  	[smem:$0x3FAD] =	sst s1  }
0xa: {  	[smem:$0x3FAE] =	sst s2  }
0xb: {  	[smem:$0x3FAF] =	sst s3  }
0xc: {  	[smem:$0x3FB0] =	sst s4  }
0xd: {  	[smem:$0x3FB1] =	sst s5  }
0xe: {  	[smem:$0x3FB2] =	sst s6  }
0xf: {  	[smem:$0x3FB3] =	sst s7  }
0x10: {  	[smem:$0x3FB4] =	sst s8  }
0x11: {  	[smem:$0x3FB5] =	sst s9;
	s0 =	simm.s32 @!p0 $0x0  }
0x12: {  	s1 =	sld [smem:$0x3F9B];
	s0 =	simm.s32 @p0 $0x1  }
0x13: {  	[smem:$0x3FB6] =	sst s0;
	s0 =	simm.s32 @!p1 $0x0  }
0x14: {  	s2 =	sld [smem:$0x3F9A];
	s0 =	simm.s32 @p1 $0x1  }
0x15: {  	[smem:$0x3FB7] =	sst s0;
	s0 =	simm.s32 @!p2 $0x0  }
0x16: {  	s3 =	sld [smem:$0x3FDB];
	s0 =	simm.s32 @p2 $0x1  }
0x17: {  	s4 =	simm.s32 $0x1BF5;
	[smem:$0x3FB9] =	sst s0  }
0x18: {  	s0 =	sld [smem:$0x3F9C];
	_ =	swait.ge [sflag:s4], $0x0  }
0x19: {  	s7 =	sld [smem:$0x3F9D]  }
0x1a: {  	s8 =	sadd.s32 $0xFFFFE003, lr  }
0x1b: {  	s9 =	sadd.s32 $0xFFFFFEF7, lr;
	s5 =	simm.s32 $0xFFFFFFFF;
	p2 =	slt.u32 s8, $0xFFFFF086  }
0x1c: {  	p1 =	slt.u32 s9, $0xF7A;
	s5 =	simm.s32 @!p2 $0x0  }
0x1d: {  	s5 =	simm.s32 @p1 $0x1;
	p0 =	seq.s32 s7, s2  }
0x1e: {  	s7 =	smul.u32 @!p0 $0xF7A, s2;
	p2 =	seq.s32 @!p0 s5, $0x0  }
0x1f: {  	s9 =	smul.u32 $0xF7A, s1;
	s8 =	simm.s32 @!p0 $0x1BF5;
	p2 =	por !p2, p0  }
0x20: {  	[sflag:s8] =	ssyncset.s32 @!p0 $0xFFFFF086;
	s6 =	sadd.s32 @!p0 s3, s7;
	s7 =	simm.s32 @!p0 $0x108  }
0x21: {  	s3 =	sadd.s32 s3, s9;
	s6 =	sadd.s32 @!p0 $0x88, s6;
	s7 =	simm.s32 @p2 $0x1082  }
0x22: {  	[simem:s7], [sflag:s8] =	dma.local @!p0 [hbm:s6], $0xF7A  }
0x23: {  	s9 =	sor.u32 $0xD0000000, s2;
	s6 =	simm.s32 $0x108;
	_ =	swait.ge @!p0 [sflag:s8], $0x0  }
0x24: {  	s3 =	sadd.s32 $0x88, s3;
	s6 =	simm.s32 @!p1 $0x1082;
	[sflag:s4] =	ssyncset.s32 $0xFFFFF086  }
0x25: {  	[simem:s6], [sflag:s4] =	dma.local [hbm:s3], $0xF7A  }
0x26: {  	[smem:$0x3F9D] =	sst s1;
	(tag) =	ssettag s2;
	_ =	strace s9  }
0x27: {  	s1 =	sld [smem:$0x3FAD]  }
0x28: {  	s2 =	sld [smem:$0x3FAE]  }
0x29: {  	s4 =	sld [smem:$0x3FB0]  }
0x2a: {  	p0 =	seq.s32 s5, $0x0;
	s5 =	sld [smem:$0x3FB1]  }
0x2b: {  	s6 =	sld [smem:$0x3FB2]  }
0x2c: {  	s7 =	sld [smem:$0x3FB3]  }
0x2d: {  	s3 =	simm.s32 $0x108;
	s8 =	sld [smem:$0x3FB4]  }
0x2e: {  	s3 =	simm.s32 @!p0 $0x1082;
	s9 =	sld [smem:$0x3FB5]  }
0x2f: {  	lr =	sadd.s32 s0, s3;
	s0 =	sld [smem:$0x3FAC]  }
0x30: {  	s3 =	sld [smem:$0x3FAF]  }
0x31: {  	[smem:$0x3FB8] =	sst s10  }
0x32: {  	s10 =	sld [smem:$0x3FB6];
	_ =	sdelay $0x3  }
0x33: {  	p0 =	seq.s32 s10, $0x1;
	s10 =	sld [smem:$0x3FB8];
	_ =	sdelay $0x3  }
0x34: {  	[smem:$0x3FB8] =	sst s10  }
0x35: {  	s10 =	sld [smem:$0x3FB7];
	_ =	sdelay $0x3  }
0x36: {  	p1 =	seq.s32 s10, $0x1;
	s10 =	sld [smem:$0x3FB8];
	_ =	sdelay $0x3  }
0x37: {  	[smem:$0x3FB8] =	sst s10  }
0x38: {  	s10 =	sld [smem:$0x3FB9]  }
0x39: {  	_ = 	snop;
	(pc) =	sbr.ind lr, $3  }
0x3a: {  	_ = 	snop  }
0x3b: {  	_ = 	snop  }
0x3c: {  	p2 =	seq.s32 s10, $0x1;
	s10 =	sld [smem:$0x3FB8]  }
0x3d: {  	_ =	shalt  }
0x3e: {  	_ =	shalt  }
0x3f: {  	_ =	shalt  }
0x40: {  	_ =	shalt  }
0x41: {  	_ =	shalt  }
0x42: {  	_ =	shalt  }
0x43: {  	_ =	shalt  }
0x44: {  	_ =	shalt  }
0x45: {  	_ =	shalt  }
0x46: {  	_ =	shalt  }
0x47: {  	_ =	shalt  }
0x48: {  	_ =	shalt  }
0x49: {  	_ =	shalt  }
0x4a: {  	_ =	shalt  }
0x4b: {  	_ =	shalt  }
0x4c: {  	_ =	shalt  }
0x4d: {  	_ =	shalt  }
0x4e: {  	_ =	shalt  }
0x4f: {  	_ =	shalt  }
0x50: {  	_ =	shalt  }
0x51: {  	_ =	shalt  }
0x52: {  	_ =	shalt  }
0x53: {  	_ =	shalt  }
0x54: {  	_ =	shalt  }
0x55: {  	_ =	shalt  }
0x56: {  	_ =	shalt  }
0x57: {  	_ =	shalt  }
0x58: {  	_ =	shalt  }
0x59: {  	_ =	shalt  }
0x5a: {  	_ =	shalt  }
0x5b: {  	_ =	shalt  }
0x5c: {  	_ =	shalt  }
0x5d: {  	_ =	shalt  }
0x5e: {  	_ =	shalt  }
0x5f: {  	_ =	shalt  }
0x60: {  	_ =	shalt  }
0x61: {  	_ =	shalt  }
0x62: {  	_ =	shalt  }
0x63: {  	_ =	shalt  }
0x64: {  	_ =	shalt  }
0x65: {  	_ =	shalt  }
0x66: {  	_ =	shalt  }
0x67: {  	_ =	shalt  }
0x68: {  	_ =	shalt  }
0x69: {  	_ =	shalt  }
0x6a: {  	_ =	shalt  }
0x6b: {  	_ =	shalt  }
0x6c: {  	_ =	shalt  }
0x6d: {  	_ =	shalt  }
0x6e: {  	_ =	shalt  }
0x6f: {  	_ =	shalt  }
0x70: {  	_ =	shalt  }
0x71: {  	_ =	shalt  }
0x72: {  	_ =	shalt  }
0x73: {  	_ =	shalt  }
0x74: {  	_ =	shalt  }
0x75: {  	_ =	shalt  }
0x76: {  	_ =	shalt  }
0x77: {  	_ =	shalt  }
0x78: {  	_ =	shalt  }
0x79: {  	_ =	shalt  }
0x7a: {  	_ =	shalt  }
0x7b: {  	_ =	shalt  }
0x7c: {  	_ =	shalt  }
0x7d: {  	_ =	shalt  }
0x7e: {  	_ =	shalt  }
0x7f: {  	_ =	shalt  }
0x80: {  	_ =	shalt  }
0x81: {  	_ =	shalt  }
0x82: {  	_ =	shalt  }
0x83: {  	_ =	shalt  }
0x84: {  	_ =	shalt  }
0x85: {  	_ =	shalt  }
0x86: {  	_ =	shalt  }
0x87: {  	_ =	shalt  }
.Lfunc_end0:
.L_simem_size_0:
called_computation_lowered:
.L_overlay_start_0:
0x88: {  	s2 =	sld [smem:$0x3FD9]  }
0x89: {  	s3 =	sld [smem:$0x3FFE];
	_ =	sdelay $0x1  }
0x8a: {  	s1 =	srdreg.scid  }
0x8b: {  	s0 =	sand.u32 $0x1, s1  }
0x8c: {  	s17 =	sshll.u32 s0, $0xA;
	s2 =	sadd.s32 s3, s2  }
0x8d: {  	s2 =	sadd.s32 s2, s17  }
0x8e: {  	[smem:$0x3FC4] =	sst s2  }
0x8f: {  	_ = 	snop  }
0x90: {  	s2 =	sld [smem:$0x3FC9]  }
0x91: {  	s18 =	sld [smem:$0x3FC8]  }
0x92: {  	s4 =	sld [smem:$0x3FC7]  }
0x93: {  	s5 =	sld [smem:$0x3FC6]  }
0x94: {  	s6 =	sld [smem:$0x3FD0];
	(tm) =	ssettm $0x1  }
0x95: {  	s7 =	sld [smem:$0x3FFB];
	_ =	sdelay $0x3  }
0x96: {  	_ =	strace s7  }
0x97: {  	s7 =	sld [smem:$0x3FFC];
	_ =	sdelay $0x3  }
0x98: {  	_ =	strace s7  }
0x99: {  	s7 =	sld [smem:$0x3FFD];
	_ =	sdelay $0x3  }
0x9a: {  	_ =	strace s7  }
0x9b: {  	_ =	strace $0x8FFFFFFF  }
0x9c: {  	s19 =	sld [smem:$0x3FDB];
	_ =	sdelay $0x1  }
0x9d: {  	s8 =	simm.s32 $_scs_section_size  }
0x9e: {  	s9 =	simm.s32 $_size__tile_overlayer_lowered;
	s10 =	simm.s32 $_tile_overlayer_lowered  }
0x9f: {  	s22 =	simm.s32 $0x1BFF;
	s21 =	sshll.u32 s10, $0x1;
	s7 =	sadd.s32 s8, s19  }
0xa0: {  	s11 =	simm.s32 $0x0;
	s20 =	sshll.u32 s9, $0x1;
	s9 =	sadd.s32 s21, s7  }
0xa1: {  	[timem:s11], [sflag:s22] =	dma.local [hbm:s9], s20  }
0xa2: {  	_ =	swait.ge [sflag:s22], s20  }
0xa3: {  	s8 =	ssub.s32 $0x0, s20;
	[sflag:s22] =	ssyncset.done $0x0  }
0xa4: {  	[sflag:s22] =	ssyncadd.s32 s8;
	_ =	sdelay $0x1  }
0xa5: {  	s23 =	simm.s32 $0x1B8B  }
0xa6: {  	_ =	swait.ge [sflag:s23], $0x1  }
0xa7: {  	[sflag:s23] =	ssyncset.done $0x0  }
0xa8: {  	s25 =	simm.s32 $0x1B8E;
	s24 =	sld [smem:$0x3FFE];
	[sflag:s23] =	ssyncadd.s32 $0xFFFFFFFF  }
0xa9: {  	s26 =	simm.s32 $execute0_lowered;
	[smem:$0x3FD2] =	sst s25  }
0xaa: {  	s9 =	sshll.u32 s26, $0x1;
	_ =	strace $0x80000046;
	[dreg:$0x1] =	wrdreg $0xFFFFFFFF  }
0xab: {  	s28 =	simm.s32 $_size_execute0_lowered;
	s7 =	sadd.s32 s7, s9;
	[dreg:$0x0] =	wrdreg $0x0  }
0xac: {  	s9 =	sshll.u32 s28, $0x1;
	[dreg:$0x2] =	wrdreg s7  }
0xad: {  	[dreg:$0x3] =	wrdreg s9  }
0xae: {  	[dreg:$0x4] =	wrdreg $0xC0  }
0xaf: {  	_ =	task [dreg:s11], $0x5FFFF  }
0xb0: {  	[dreg:$0x1] =	wrdreg $0xFFFFFFFF  }
0xb1: {  	[dreg:$0x0] =	wrdreg $0x60  }
0xb2: {  	[dreg:$0x2] =	wrdreg s2  }
0xb3: {  	[dreg:$0x3] =	wrdreg s18  }
0xb4: {  	[dreg:$0x4] =	wrdreg s4  }
0xb5: {  	[dreg:$0x5] =	wrdreg s5  }
0xb6: {  	[dreg:$0x6] =	wrdreg s6  }
0xb7: {  	[dreg:$0x7] =	wrdreg s24  }
0xb8: {  	[dreg:$0x8] =	wrdreg $0x9  }
0xb9: {  	_ =	task.clear_ibuf [dreg:s11], $0x9FFFF;
	_ =	strace $0x90000046  }
0xba: {  	s29 =	simm.s32 $0x9;
	_ =	strace $0x80000048  }
0xbb: {  	_ =	swait.ge [sflag:s29], $0x1  }
0xbc: {  	[sflag:s29] =	ssyncadd.s32 $0xFFFFFFFF  }
0xbd: {  	_ =	strace $0x90000048  }
0xbe: {  	_ =	sfence  }
0xbf: {  	s30 =	sld [smem:$0x0];
	_ =	sdelay $0x2  }
0xc0: {  	s31 =	sshll.u32 s1, $0xD;
	s1 =	sshrl.u32 s1, $0x2  }
0xc1: {  	s3 =	sand.u32 $0x4000, s31;
	s1 =	sadd.s32 s1, s30  }
0xc2: {  	s0 =	sor.u32 s3, s0;
	s1 =	sshll.u32 s1, $0x11  }
0xc3: {  	s0 =	sor.u32 s1, s0  }
0xc4: {  	s0 =	sadd.s32 $0x8F2B, s0  }
0xc5: {  	[sflag:s0] =	ssyncadd.remote.s32 $0x1  }
0xc6: {  	_ =	sfence.sel $0xFFFF  }
0xc7: {  	[dreg:$0x0] =	wrdreg $0xFFFFFFFF;
	(pc) =	sbr.abs _section_cstart, $3  }
0xc8: {  	[dreg:$0x1] =	wrdreg $0xFFFFFFFF  }
0xc9: {  	_ =	task.clear_ibuf [dreg:s11], $0x2FFFF;
	_ =	strace $0x9FFFFFFF  }
0xca: {  	(tm) =	ssettm $0x7FFFFFFF  }
0xcb: {  	_ =	shalt  }
tec
execute0_lowered:
.L_overlay_start_1:
0x0: {  	(tag) =	ssettag $0x1  }
0x1: {  	s0 =	rddreg [dreg:$0x0]  }
0x2: {  	s3 =	rddreg [dreg:$0x1]  }
0x3: {  	s1 =	rddreg [dreg:$0x2]  }
0x4: {  	s2 =	rddreg [dreg:$0x3]  }
0x5: {  	s4 =	rddreg [dreg:$0x4]  }
0x6: {  	s5 =	rddreg [dreg:$0x5]  }
0x7: {  	s6 =	srdreg.scid;
	s7 =	stileid.u32  }
0x8: {  	s30 =	simm.s32 $0x0;
	s10 =	simm.s32 $0x9;
	s11 =	simm.s32 $0x400  }
0x9: {  	s12 =	simm.s32 $0x7A1400;
	s13 =	simm.s32 $0x4100;
	s14 =	simm.s32 $0x5100  }
0xa: {  	s15 =	simm.s32 $0x6100;
	s16 =	simm.s32 $0x7100;
	s17 =	simm.s32 $0x8100  }
0xb: {  	s18 =	simm.s32 $0x9100;
	s19 =	simm.s32 $0xA100;
	s20 =	simm.s32 $0xB100  }
0xc: {  	s21 =	simm.s32 $0x1;
	s22 =	simm.s32 $0x2;
	s6 =	sand.u32 $0x1, s6  }
0xd: {  	s28 =	simm.s32 $0x7;
	s7 =	sshll.u32 s7, $0x8;
	s8 =	sshll.u32 s6, $0x7  }
0xe: {  	s29 =	simm.s32 $0x8;
	[smem:$0x7FF] =	sst s30;
	s7 =	sor.u32 s8, s7  }
0xf: {  	s6 =	ssub.s32 $0x2, s6;
	s8 =	sshll.u32 s7, $0x4;
	s7 =	sshrl.u32 s7, $0x3  }
0x10: {  	_ =	strace $0x80000047;
	s9 =	sshrl.u32 s6, $0x1;
	s0 =	sadd.s32 s0, s7  }
0x11: {  	s6 =	ssub.s32 s6, s9;
	s23 =	sadd.s32 s4, s8;
	[dreg:$0x7] =	wrdreg s0  }
.Ltmp0:
0x12: {  	s24 =	sadd.s32 s3, s7;
	[dreg:$0x8] =	wrdreg s23;
	(pc) =	sbr.rel .LBB2_1-.Ltmp0, $4  }
0x13: {  	v0 =	vlaneseq.u32;
	s5 =	sadd.s32 s8, s5;
	s26 =	smax.u32 s6, $0x1;
	[dreg:$0x9] =	wrdreg s24  }
0x14: {  	s31 =	simm.s32 $0xC3800;
	v0 =	vmul.u32 $0x80, v0;
	s25 =	sadd.s32 $0xC00, s5;
	[dreg:$0xb] =	wrdreg s26  }
0x15: {  	s23 =	simm.s32 $0x3;
	s24 =	simm.s32 $0x4;
	s26 =	simm.s32 $0x6  }
0x16: {  	v1 =	vor.u32 $0x800, v0;
	s0 =	simm.s32 $0x0;
	[dreg:$0xa] =	wrdreg s25;
	s25 =	simm.s32 $0x5  }
.LBB2_7:
0x17: {  	s30 =	simm.s32 $0x0;
	s3 =	rddreg [dreg:$0xa];
	s4 =	simm.s32 $0x100  }
0x18: {  	[hbm4b:s3+s30] =	stream.linear.scatter [tilespmem:s4], [sflag:$0x9], $0x4000, $0x38;
	[tilespmem:$0xC100] =	vst v63  }
0x19: {  	_ =	swait.ge [sflag:s10], $0x4000  }
0x1a: {  	s0 =	sadd.s32 $0x1, s0;
	s9 =	rddreg [dreg:$0xb]  }
0x1b: {  	p0 =	sne.s32 s0, s9  }
.Ltmp1:
0x1c: {  	_ = 	snop;
	(pc) =	sbr.rel @!p0 .LBB2_8-.Ltmp1, $3  }
0x1d: {  	_ =	sdelay $0x1  }
0x1e: {  	[sflag:s10] =	ssyncset.done $0x0  }
0x1f: {  	[sflag:s10] =	ssyncadd.s32 $0xFFFFC000  }
.LBB2_1:
0x20: {  	s3 =	rddreg [dreg:$0x7]  }
0x21: {  	[tilespmem:s30], [sflag:$0x9] =	stream.linear.gather [hbm4b:s3+s30], $0x80, $0x38;
	[tilespmem:$0xC100] =	vst v63  }
0x22: {  	_ =	swait.ge [sflag:s10], $0x80  }
0x23: {  	[sflag:s10] =	ssyncset.done $0x0  }
0x24: {  	[sflag:s10] =	ssyncadd.s32 $0xFFFFFF80  }
0x25: {  	v2 =	vld [tilespmem:$0x0];
	_ =	sdelay $0x4  }
0x26: {  	(v2sf) =	vpush v2, $0x0;
	_ =	sdelay $0xe  }
0x27: {  	s30 =	spop (v2sf)  }
0x28: {  	s3 =	sand.u32 $0xFFFFF80, s30  }
0x29: {  	s3 =	sadd.s32 s1, s3  }
0x2a: {  	[tilespmem:s13], [sflag:$0x1] =	stream.strided.gather [hbm4b:s3+s11], $0x1000, s12, s11, $0x38;
	[tilespmem:$0xC100] =	vst v63  }
0x2b: {  	v2 =	vld [tilespmem:$0x1];
	_ =	sdelay $0x4  }
0x2c: {  	(v2sf) =	vpush v2, $0x0;
	_ =	sdelay $0xe  }
0x2d: {  	s4 =	spop (v2sf)  }
0x2e: {  	s3 =	sand.u32 $0xFFFFF80, s4  }
0x2f: {  	s3 =	sadd.s32 s1, s3  }
0x30: {  	[tilespmem:s14], [sflag:$0x2] =	stream.strided.gather [hbm4b:s3+s11], $0x1000, s12, s11, $0x38;
	[tilespmem:$0xC100] =	vst v63  }
0x31: {  	v2 =	vld [tilespmem:$0x2];
	_ =	sdelay $0x4  }
0x32: {  	(v2sf) =	vpush v2, $0x0;
	_ =	sdelay $0xe  }
0x33: {  	s5 =	spop (v2sf)  }
0x34: {  	s3 =	sand.u32 $0xFFFFF80, s5  }
0x35: {  	s3 =	sadd.s32 s1, s3  }
0x36: {  	[tilespmem:s15], [sflag:$0x3] =	stream.strided.gather [hbm4b:s3+s11], $0x1000, s12, s11, $0x38;
	[tilespmem:$0xC100] =	vst v63  }
0x37: {  	v2 =	vld [tilespmem:$0x3];
	_ =	sdelay $0x4  }
0x38: {  	(v2sf) =	vpush v2, $0x0;
	_ =	sdelay $0xe  }
0x39: {  	s6 =	spop (v2sf)  }
0x3a: {  	s3 =	sand.u32 $0xFFFFF80, s6  }
0x3b: {  	s3 =	sadd.s32 s1, s3  }
0x3c: {  	[tilespmem:s16], [sflag:$0x4] =	stream.strided.gather [hbm4b:s3+s11], $0x1000, s12, s11, $0x38;
	[tilespmem:$0xC100] =	vst v63  }
0x3d: {  	v2 =	vld [tilespmem:$0x4];
	_ =	sdelay $0x4  }
0x3e: {  	(v2sf) =	vpush v2, $0x0;
	_ =	sdelay $0xe  }
0x3f: {  	s7 =	spop (v2sf)  }
0x40: {  	s3 =	sand.u32 $0xFFFFF80, s7  }
0x41: {  	s3 =	sadd.s32 s1, s3  }
0x42: {  	[tilespmem:s17], [sflag:$0x5] =	stream.strided.gather [hbm4b:s3+s11], $0x1000, s12, s11, $0x38;
	[tilespmem:$0xC100] =	vst v63  }
0x43: {  	v2 =	vld [tilespmem:$0x5];
	_ =	sdelay $0x4  }
0x44: {  	(v2sf) =	vpush v2, $0x0;
	_ =	sdelay $0xe  }
0x45: {  	s8 =	spop (v2sf)  }
0x46: {  	s3 =	sand.u32 $0xFFFFF80, s8  }
0x47: {  	s3 =	sadd.s32 s1, s3  }
0x48: {  	[tilespmem:s18], [sflag:$0x6] =	stream.strided.gather [hbm4b:s3+s11], $0x1000, s12, s11, $0x38;
	[tilespmem:$0xC100] =	vst v63  }
0x49: {  	v2 =	vld [tilespmem:$0x6];
	_ =	sdelay $0x4  }
0x4a: {  	(v2sf) =	vpush v2, $0x0;
	_ =	sdelay $0xe  }
0x4b: {  	s9 =	spop (v2sf)  }
0x4c: {  	s3 =	sand.u32 $0xFFFFF80, s9  }
0x4d: {  	s3 =	sadd.s32 s1, s3  }
0x4e: {  	[tilespmem:s19], [sflag:$0x7] =	stream.strided.gather [hbm4b:s3+s11], $0x1000, s12, s11, $0x38;
	[tilespmem:$0xC100] =	vst v63  }
0x4f: {  	v2 =	vld [tilespmem:$0x7];
	_ =	sdelay $0x4  }
0x50: {  	(v2sf) =	vpush v2, $0x0;
	_ =	sdelay $0xe  }
0x51: {  	s30 =	spop (v2sf)  }
0x52: {  	s3 =	sand.u32 $0xFFFFF80, s30  }
0x53: {  	s3 =	sadd.s32 s1, s3  }
0x54: {  	[tilespmem:s20], [sflag:$0x8] =	stream.strided.gather [hbm4b:s3+s11], $0x1000, s12, s11, $0x38;
	[tilespmem:$0xC100] =	vst v63  }
0x55: {  	s4 =	simm.s32 $0x0;
	s3 =	simm.s32 $0x300  }
.LBB2_2:
0x56: {  	s5 =	sshra.s32 s4, $0x2  }
0x57: {  	v2 =	vld [tilespmem:s5+$0x0];
	_ =	sdelay $0x4  }
0x58: {  	(v2sf) =	vpush v2, $0x0;
	_ =	sdelay $0xe  }
0x59: {  	s6 =	spop (v2sf)  }
0x5a: {  	s6 =	sand.u32 $0x7F, s6  }
0x5b: {  	v2 =	vor.u32 s6, v0  }
0x5c: {  	v3 =	vor.u32 s6, v1  }
0x5d: {  	_ =	swait.ge [sflag:s21], $0x1000  }
0x5e: {  	[sflag:s21] =	ssyncset.done $0x0  }
0x5f: {  	[sflag:s21] =	ssyncadd.s32 $0xFFFFF000  }
0x60: {  	v2 =	vld.idx.msk [tilespmem:v2+s13+$0x0], $0xffff  }
0x61: {  	v3 =	vld.idx.msk [tilespmem:v3+s13+$0x0], $0xffff;
	_ =	sdelay $0x3  }
0x62: {  	p0 =	seq.s32 s4, $0x1E0;
	[tilespmem:s3+$0xFFFFFE00] =	vst v2  }
0x63: {  	s6 =	sshra.s32 @!p0 s4, $0x2;
	[tilespmem:s3+$0xFFFFFE10] =	vst v3  }
0x64: {  	v2 =	vld @!p0 [tilespmem:s6+$0x8];
	_ =	sdelay $0x4  }
0x65: {  	(v2sf) =	vpush @!p0 v2, $0x0;
	_ =	sdelay $0xe  }
0x66: {  	s7 =	spop @!p0 (v2sf)  }
0x67: {  	s8 =	simm.s32 @!p0 $0x7A1400;
	s7 =	sand.u32 @!p0 $0xFFFFF80, s7  }
0x68: {  	s30 =	simm.s32 @!p0 $0x4100;
	s9 =	sadd.s32 @!p0 s1, s7;
	s7 =	simm.s32 @!p0 $0x400  }
0x69: {  	[tilespmem:s30], [sflag:$0x1] =	stream.strided.gather @!p0 [hbm4b:s9+s7], $0x1000, s8, s7, $0x38;
	[tilespmem:$0xC100] =	vst v63  }
0x6a: {  	v2 =	vld [tilespmem:s5+$0x1];
	_ =	sdelay $0x4  }
0x6b: {  	(v2sf) =	vpush v2, $0x0;
	_ =	sdelay $0xe  }
0x6c: {  	s30 =	spop (v2sf)  }
0x6d: {  	s9 =	sand.u32 $0x7F, s30  }
0x6e: {  	v2 =	vor.u32 s9, v0  }
0x6f: {  	v3 =	vor.u32 s9, v1  }
0x70: {  	_ =	swait.ge [sflag:s22], $0x1000  }
0x71: {  	[sflag:s22] =	ssyncset.done $0x0  }
0x72: {  	[sflag:s22] =	ssyncadd.s32 $0xFFFFF000  }
0x73: {  	v2 =	vld.idx.msk [tilespmem:v2+s14+$0x0], $0xffff  }
0x74: {  	v3 =	vld.idx.msk [tilespmem:v3+s14+$0x0], $0xffff;
	_ =	sdelay $0x3  }
0x75: {  	[tilespmem:s3+$0xFFFFFE80] =	vst v2  }
0x76: {  	[tilespmem:s3+$0xFFFFFE90] =	vst v3  }
0x77: {  	v2 =	vld @!p0 [tilespmem:s6+$0x9];
	_ =	sdelay $0x4  }
0x78: {  	(v2sf) =	vpush @!p0 v2, $0x0;
	_ =	sdelay $0xe  }
0x79: {  	s9 =	spop @!p0 (v2sf)  }
0x7a: {  	s9 =	sand.u32 @!p0 $0xFFFFF80, s9  }
0x7b: {  	s30 =	simm.s32 @!p0 $0x5100;
	s9 =	sadd.s32 @!p0 s1, s9  }
0x7c: {  	[tilespmem:s30], [sflag:$0x2] =	stream.strided.gather @!p0 [hbm4b:s9+s7], $0x1000, s8, s7, $0x38;
	[tilespmem:$0xC100] =	vst v63  }
0x7d: {  	v2 =	vld [tilespmem:s5+$0x2];
	_ =	sdelay $0x4  }
0x7e: {  	(v2sf) =	vpush v2, $0x0;
	_ =	sdelay $0xe  }
0x7f: {  	s30 =	spop (v2sf)  }
0x80: {  	s9 =	sand.u32 $0x7F, s30  }
0x81: {  	v2 =	vor.u32 s9, v0  }
0x82: {  	v3 =	vor.u32 s9, v1  }
0x83: {  	_ =	swait.ge [sflag:s23], $0x1000  }
0x84: {  	[sflag:s23] =	ssyncset.done $0x0  }
0x85: {  	[sflag:s23] =	ssyncadd.s32 $0xFFFFF000  }
0x86: {  	v2 =	vld.idx.msk [tilespmem:v2+s15+$0x0], $0xffff  }
0x87: {  	v3 =	vld.idx.msk [tilespmem:v3+s15+$0x0], $0xffff;
	_ =	sdelay $0x3  }
0x88: {  	[tilespmem:s3+$0xFFFFFF00] =	vst v2  }
0x89: {  	[tilespmem:s3+$0xFFFFFF10] =	vst v3  }
0x8a: {  	v2 =	vld @!p0 [tilespmem:s6+$0xA];
	_ =	sdelay $0x4  }
0x8b: {  	(v2sf) =	vpush @!p0 v2, $0x0;
	_ =	sdelay $0xe  }
0x8c: {  	s9 =	spop @!p0 (v2sf)  }
0x8d: {  	s9 =	sand.u32 @!p0 $0xFFFFF80, s9  }
0x8e: {  	s30 =	simm.s32 @!p0 $0x6100;
	s9 =	sadd.s32 @!p0 s1, s9  }
0x8f: {  	[tilespmem:s30], [sflag:$0x3] =	stream.strided.gather @!p0 [hbm4b:s9+s7], $0x1000, s8, s7, $0x38;
	[tilespmem:$0xC100] =	vst v63  }
0x90: {  	v2 =	vld [tilespmem:s5+$0x3];
	_ =	sdelay $0x4  }
0x91: {  	(v2sf) =	vpush v2, $0x0;
	_ =	sdelay $0xe  }
0x92: {  	s30 =	spop (v2sf)  }
0x93: {  	s9 =	sand.u32 $0x7F, s30  }
0x94: {  	v2 =	vor.u32 s9, v0  }
0x95: {  	v3 =	vor.u32 s9, v1  }
0x96: {  	_ =	swait.ge [sflag:s24], $0x1000  }
0x97: {  	[sflag:s24] =	ssyncset.done $0x0  }
0x98: {  	[sflag:s24] =	ssyncadd.s32 $0xFFFFF000  }
0x99: {  	v2 =	vld.idx.msk [tilespmem:v2+s16+$0x0], $0xffff  }
0x9a: {  	v3 =	vld.idx.msk [tilespmem:v3+s16+$0x0], $0xffff;
	_ =	sdelay $0x3  }
0x9b: {  	[tilespmem:s3+$0xFFFFFF80] =	vst v2  }
0x9c: {  	[tilespmem:s3+$0xFFFFFF90] =	vst v3  }
0x9d: {  	v2 =	vld @!p0 [tilespmem:s6+$0xB];
	_ =	sdelay $0x4  }
0x9e: {  	(v2sf) =	vpush @!p0 v2, $0x0;
	_ =	sdelay $0xe  }
0x9f: {  	s9 =	spop @!p0 (v2sf)  }
0xa0: {  	s9 =	sand.u32 @!p0 $0xFFFFF80, s9  }
0xa1: {  	s30 =	simm.s32 @!p0 $0x7100;
	s9 =	sadd.s32 @!p0 s1, s9  }
0xa2: {  	[tilespmem:s30], [sflag:$0x4] =	stream.strided.gather @!p0 [hbm4b:s9+s7], $0x1000, s8, s7, $0x38;
	[tilespmem:$0xC100] =	vst v63  }
0xa3: {  	v2 =	vld [tilespmem:s5+$0x4];
	_ =	sdelay $0x4  }
0xa4: {  	(v2sf) =	vpush v2, $0x0;
	_ =	sdelay $0xe  }
0xa5: {  	s30 =	spop (v2sf)  }
0xa6: {  	s9 =	sand.u32 $0x7F, s30  }
0xa7: {  	v2 =	vor.u32 s9, v0  }
0xa8: {  	v3 =	vor.u32 s9, v1  }
0xa9: {  	_ =	swait.ge [sflag:s25], $0x1000  }
0xaa: {  	[sflag:s25] =	ssyncset.done $0x0  }
0xab: {  	[sflag:s25] =	ssyncadd.s32 $0xFFFFF000  }
0xac: {  	v2 =	vld.idx.msk [tilespmem:v2+s17+$0x0], $0xffff  }
0xad: {  	v3 =	vld.idx.msk [tilespmem:v3+s17+$0x0], $0xffff;
	_ =	sdelay $0x3  }
0xae: {  	[tilespmem:s3+$0x0] =	vst v2  }
0xaf: {  	[tilespmem:s3+$0x10] =	vst v3  }
0xb0: {  	v2 =	vld @!p0 [tilespmem:s6+$0xC];
	_ =	sdelay $0x4  }
0xb1: {  	(v2sf) =	vpush @!p0 v2, $0x0;
	_ =	sdelay $0xe  }
0xb2: {  	s9 =	spop @!p0 (v2sf)  }
0xb3: {  	s9 =	sand.u32 @!p0 $0xFFFFF80, s9  }
0xb4: {  	s30 =	simm.s32 @!p0 $0x8100;
	s9 =	sadd.s32 @!p0 s1, s9  }
0xb5: {  	[tilespmem:s30], [sflag:$0x5] =	stream.strided.gather @!p0 [hbm4b:s9+s7], $0x1000, s8, s7, $0x38;
	[tilespmem:$0xC100] =	vst v63  }
0xb6: {  	v2 =	vld [tilespmem:s5+$0x5];
	_ =	sdelay $0x4  }
0xb7: {  	(v2sf) =	vpush v2, $0x0;
	_ =	sdelay $0xe  }
0xb8: {  	s30 =	spop (v2sf)  }
0xb9: {  	s9 =	sand.u32 $0x7F, s30  }
0xba: {  	v2 =	vor.u32 s9, v0  }
0xbb: {  	v3 =	vor.u32 s9, v1  }
0xbc: {  	_ =	swait.ge [sflag:s26], $0x1000  }
0xbd: {  	[sflag:s26] =	ssyncset.done $0x0  }
0xbe: {  	[sflag:s26] =	ssyncadd.s32 $0xFFFFF000  }
0xbf: {  	v2 =	vld.idx.msk [tilespmem:v2+s18+$0x0], $0xffff  }
0xc0: {  	v3 =	vld.idx.msk [tilespmem:v3+s18+$0x0], $0xffff;
	_ =	sdelay $0x3  }
0xc1: {  	[tilespmem:s3+$0x80] =	vst v2  }
0xc2: {  	[tilespmem:s3+$0x90] =	vst v3  }
0xc3: {  	v2 =	vld @!p0 [tilespmem:s6+$0xD];
	_ =	sdelay $0x4  }
0xc4: {  	(v2sf) =	vpush @!p0 v2, $0x0;
	_ =	sdelay $0xe  }
0xc5: {  	s9 =	spop @!p0 (v2sf)  }
0xc6: {  	s9 =	sand.u32 @!p0 $0xFFFFF80, s9  }
0xc7: {  	s30 =	simm.s32 @!p0 $0x9100;
	s9 =	sadd.s32 @!p0 s1, s9  }
0xc8: {  	[tilespmem:s30], [sflag:$0x6] =	stream.strided.gather @!p0 [hbm4b:s9+s7], $0x1000, s8, s7, $0x38;
	[tilespmem:$0xC100] =	vst v63  }
0xc9: {  	v2 =	vld [tilespmem:s5+$0x6];
	_ =	sdelay $0x4  }
0xca: {  	(v2sf) =	vpush v2, $0x0;
	_ =	sdelay $0xe  }
0xcb: {  	s30 =	spop (v2sf)  }
0xcc: {  	s9 =	sand.u32 $0x7F, s30  }
0xcd: {  	v2 =	vor.u32 s9, v0  }
0xce: {  	v3 =	vor.u32 s9, v1  }
0xcf: {  	_ =	swait.ge [sflag:s28], $0x1000  }
0xd0: {  	[sflag:s28] =	ssyncset.done $0x0  }
0xd1: {  	[sflag:s28] =	ssyncadd.s32 $0xFFFFF000  }
0xd2: {  	v2 =	vld.idx.msk [tilespmem:v2+s19+$0x0], $0xffff  }
0xd3: {  	v3 =	vld.idx.msk [tilespmem:v3+s19+$0x0], $0xffff;
	_ =	sdelay $0x3  }
0xd4: {  	[tilespmem:s3+$0x100] =	vst v2  }
0xd5: {  	[tilespmem:s3+$0x110] =	vst v3  }
0xd6: {  	v2 =	vld @!p0 [tilespmem:s6+$0xE];
	_ =	sdelay $0x4  }
0xd7: {  	(v2sf) =	vpush @!p0 v2, $0x0;
	_ =	sdelay $0xe  }
0xd8: {  	s6 =	spop @!p0 (v2sf)  }
0xd9: {  	s6 =	sand.u32 @!p0 $0xFFFFF80, s6  }
0xda: {  	s9 =	simm.s32 @!p0 $0xA100;
	s6 =	sadd.s32 @!p0 s1, s6  }
0xdb: {  	[tilespmem:s9], [sflag:$0x7] =	stream.strided.gather @!p0 [hbm4b:s6+s7], $0x1000, s8, s7, $0x38;
	[tilespmem:$0xC100] =	vst v63  }
0xdc: {  	v2 =	vld [tilespmem:s5+$0x7];
	_ =	sdelay $0x4  }
0xdd: {  	(v2sf) =	vpush v2, $0x0;
	_ =	sdelay $0xe  }
0xde: {  	s30 =	spop (v2sf)  }
0xdf: {  	s6 =	sand.u32 $0x7F, s30  }
0xe0: {  	v2 =	vor.u32 s6, v0  }
0xe1: {  	v3 =	vor.u32 s6, v1  }
0xe2: {  	_ =	swait.ge [sflag:s29], $0x1000  }
0xe3: {  	[sflag:s29] =	ssyncset.done $0x0  }
0xe4: {  	[sflag:s29] =	ssyncadd.s32 $0xFFFFF000  }
0xe5: {  	v2 =	vld.idx.msk [tilespmem:v2+s20+$0x0], $0xffff  }
0xe6: {  	v3 =	vld.idx.msk [tilespmem:v3+s20+$0x0], $0xffff  }
.Ltmp2:
0xe7: {  	_ = 	snop;
	(pc) =	sbr.rel @p0 .LBB2_4-.Ltmp2, $3  }
0xe8: {  	_ =	sdelay $0x1  }
0xe9: {  	[tilespmem:s3+$0x180] =	vst v2  }
0xea: {  	[tilespmem:s3+$0x190] =	vst v3  }
0xeb: {  	v2 =	vld [tilespmem:s5+$0xF];
	_ =	sdelay $0x4  }
0xec: {  	(v2sf) =	vpush v2, $0x0;
	_ =	sdelay $0xd  }
.Ltmp3:
0xed: {  	_ = 	snop;
	(pc) =	sbr.rel .LBB2_2-.Ltmp3, $4  }
0xee: {  	s30 =	spop (v2sf)  }
0xef: {  	s5 =	sand.u32 $0xFFFFF80, s30  }
0xf0: {  	s4 =	sadd.s32 $0x20, s4;
	s3 =	sadd.s32 $0x400, s3;
	s5 =	sadd.s32 s1, s5  }
0xf1: {  	[tilespmem:s20], [sflag:$0x8] =	stream.strided.gather [hbm4b:s5+s11], $0x1000, s12, s11, $0x38;
	[tilespmem:$0xC100] =	vst v63  }
.LBB2_4:
0xf2: {  	s3 =	simm.s32 $0x0;
	s4 =	rddreg [dreg:$0x8];
	s5 =	simm.s32 $0x100  }
0xf3: {  	[hbm4b:s4+s3] =	stream.linear.scatter [tilespmem:s5], [sflag:$0x9], $0x4000, $0x38;
	[tilespmem:$0xC100] =	vst v63  }
0xf4: {  	_ =	swait.ge [sflag:s10], $0x4000  }
0xf5: {  	[sflag:s10] =	ssyncset.done $0x0  }
0xf6: {  	s8 =	rddreg [dreg:$0x9];
	[sflag:s10] =	ssyncadd.s32 $0xFFFFC000  }
0xf7: {  	[tilespmem:s3], [sflag:$0x9] =	stream.linear.gather [hbm4b:s8+s3], $0x80, $0x38;
	[tilespmem:$0xC100] =	vst v63  }
0xf8: {  	_ =	swait.ge [sflag:s10], $0x80  }
0xf9: {  	[sflag:s10] =	ssyncset.done $0x0  }
0xfa: {  	[sflag:s10] =	ssyncadd.s32 $0xFFFFFF80  }
0xfb: {  	v2 =	vld [tilespmem:$0x0];
	_ =	sdelay $0x4  }
0xfc: {  	(v2sf) =	vpush v2, $0x0;
	_ =	sdelay $0xe  }
0xfd: {  	s9 =	spop (v2sf)  }
0xfe: {  	s4 =	sand.u32 $0xFFFFF80, s9  }
0xff: {  	s4 =	sadd.s32 s2, s4  }
0x100: {  	[tilespmem:s13], [sflag:$0x1] =	stream.strided.gather [hbm4b:s4+s11], $0x1000, s31, s11, $0x38;
	[tilespmem:$0xC100] =	vst v63  }
0x101: {  	v2 =	vld [tilespmem:$0x1];
	_ =	sdelay $0x4  }
0x102: {  	(v2sf) =	vpush v2, $0x0;
	_ =	sdelay $0xe  }
0x103: {  	s30 =	spop (v2sf)  }
0x104: {  	s4 =	sand.u32 $0xFFFFF80, s30  }
0x105: {  	s4 =	sadd.s32 s2, s4  }
0x106: {  	[tilespmem:s14], [sflag:$0x2] =	stream.strided.gather [hbm4b:s4+s11], $0x1000, s31, s11, $0x38;
	[tilespmem:$0xC100] =	vst v63  }
0x107: {  	v2 =	vld [tilespmem:$0x2];
	_ =	sdelay $0x4  }
0x108: {  	(v2sf) =	vpush v2, $0x0;
	_ =	sdelay $0xe  }
0x109: {  	s5 =	spop (v2sf)  }
0x10a: {  	s4 =	sand.u32 $0xFFFFF80, s5  }
0x10b: {  	s4 =	sadd.s32 s2, s4  }
0x10c: {  	[tilespmem:s15], [sflag:$0x3] =	stream.strided.gather [hbm4b:s4+s11], $0x1000, s31, s11, $0x38;
	[tilespmem:$0xC100] =	vst v63  }
0x10d: {  	v2 =	vld [tilespmem:$0x3];
	_ =	sdelay $0x4  }
0x10e: {  	(v2sf) =	vpush v2, $0x0;
	_ =	sdelay $0xe  }
0x10f: {  	s6 =	spop (v2sf)  }
0x110: {  	s4 =	sand.u32 $0xFFFFF80, s6  }
0x111: {  	s4 =	sadd.s32 s2, s4  }
0x112: {  	[tilespmem:s16], [sflag:$0x4] =	stream.strided.gather [hbm4b:s4+s11], $0x1000, s31, s11, $0x38;
	[tilespmem:$0xC100] =	vst v63  }
0x113: {  	v2 =	vld [tilespmem:$0x4];
	_ =	sdelay $0x4  }
0x114: {  	(v2sf) =	vpush v2, $0x0;
	_ =	sdelay $0xe  }
0x115: {  	s7 =	spop (v2sf)  }
0x116: {  	s4 =	sand.u32 $0xFFFFF80, s7  }
0x117: {  	s4 =	sadd.s32 s2, s4  }
0x118: {  	[tilespmem:s17], [sflag:$0x5] =	stream.strided.gather [hbm4b:s4+s11], $0x1000, s31, s11, $0x38;
	[tilespmem:$0xC100] =	vst v63  }
0x119: {  	v2 =	vld [tilespmem:$0x5];
	_ =	sdelay $0x4  }
0x11a: {  	(v2sf) =	vpush v2, $0x0;
	_ =	sdelay $0xe  }
0x11b: {  	s8 =	spop (v2sf)  }
0x11c: {  	s4 =	sand.u32 $0xFFFFF80, s8  }
0x11d: {  	s4 =	sadd.s32 s2, s4  }
0x11e: {  	[tilespmem:s18], [sflag:$0x6] =	stream.strided.gather [hbm4b:s4+s11], $0x1000, s31, s11, $0x38;
	[tilespmem:$0xC100] =	vst v63  }
0x11f: {  	v2 =	vld [tilespmem:$0x6];
	_ =	sdelay $0x4  }
0x120: {  	(v2sf) =	vpush v2, $0x0;
	_ =	sdelay $0xe  }
0x121: {  	s9 =	spop (v2sf)  }
0x122: {  	s4 =	sand.u32 $0xFFFFF80, s9  }
0x123: {  	s4 =	sadd.s32 s2, s4  }
0x124: {  	[tilespmem:s19], [sflag:$0x7] =	stream.strided.gather [hbm4b:s4+s11], $0x1000, s31, s11, $0x38;
	[tilespmem:$0xC100] =	vst v63  }
0x125: {  	v2 =	vld [tilespmem:$0x7];
	_ =	sdelay $0x4  }
0x126: {  	(v2sf) =	vpush v2, $0x0;
	_ =	sdelay $0xe  }
0x127: {  	s30 =	spop (v2sf)  }
0x128: {  	s4 =	sand.u32 $0xFFFFF80, s30  }
0x129: {  	s4 =	sadd.s32 s2, s4  }
0x12a: {  	[tilespmem:s20], [sflag:$0x8] =	stream.strided.gather [hbm4b:s4+s11], $0x1000, s31, s11, $0x38;
	[tilespmem:$0xC100] =	vst v63  }
0x12b: {  	s4 =	simm.s32 $0x300  }
.LBB2_5:
0x12c: {  	s5 =	sshra.s32 s3, $0x2  }
0x12d: {  	v2 =	vld [tilespmem:s5+$0x0];
	_ =	sdelay $0x4  }
0x12e: {  	(v2sf) =	vpush v2, $0x0;
	_ =	sdelay $0xe  }
0x12f: {  	s6 =	spop (v2sf)  }
0x130: {  	s6 =	sand.u32 $0x7F, s6  }
0x131: {  	v2 =	vor.u32 s6, v0  }
0x132: {  	v3 =	vor.u32 s6, v1  }
0x133: {  	_ =	swait.ge [sflag:s21], $0x1000  }
0x134: {  	[sflag:s21] =	ssyncset.done $0x0  }
0x135: {  	[sflag:s21] =	ssyncadd.s32 $0xFFFFF000  }
0x136: {  	v2 =	vld.idx.msk [tilespmem:v2+s13+$0x0], $0xffff  }
0x137: {  	v3 =	vld.idx.msk [tilespmem:v3+s13+$0x0], $0xffff;
	_ =	sdelay $0x3  }
0x138: {  	p0 =	seq.s32 s3, $0x1E0;
	[tilespmem:s4+$0xFFFFFE00] =	vst v2  }
0x139: {  	s6 =	sshra.s32 @!p0 s3, $0x2;
	[tilespmem:s4+$0xFFFFFE10] =	vst v3  }
0x13a: {  	v2 =	vld @!p0 [tilespmem:s6+$0x8];
	_ =	sdelay $0x4  }
0x13b: {  	(v2sf) =	vpush @!p0 v2, $0x0;
	_ =	sdelay $0xe  }
0x13c: {  	s7 =	spop @!p0 (v2sf)  }
0x13d: {  	s8 =	simm.s32 @!p0 $0xC3800;
	s7 =	sand.u32 @!p0 $0xFFFFF80, s7  }
0x13e: {  	s30 =	simm.s32 @!p0 $0x4100;
	s9 =	sadd.s32 @!p0 s2, s7;
	s7 =	simm.s32 @!p0 $0x400  }
0x13f: {  	[tilespmem:s30], [sflag:$0x1] =	stream.strided.gather @!p0 [hbm4b:s9+s7], $0x1000, s8, s7, $0x38;
	[tilespmem:$0xC100] =	vst v63  }
0x140: {  	v2 =	vld [tilespmem:s5+$0x1];
	_ =	sdelay $0x4  }
0x141: {  	(v2sf) =	vpush v2, $0x0;
	_ =	sdelay $0xe  }
0x142: {  	s30 =	spop (v2sf)  }
0x143: {  	s9 =	sand.u32 $0x7F, s30  }
0x144: {  	v2 =	vor.u32 s9, v0  }
0x145: {  	v3 =	vor.u32 s9, v1  }
0x146: {  	_ =	swait.ge [sflag:s22], $0x1000  }
0x147: {  	[sflag:s22] =	ssyncset.done $0x0  }
0x148: {  	[sflag:s22] =	ssyncadd.s32 $0xFFFFF000  }
0x149: {  	v2 =	vld.idx.msk [tilespmem:v2+s14+$0x0], $0xffff  }
0x14a: {  	v3 =	vld.idx.msk [tilespmem:v3+s14+$0x0], $0xffff;
	_ =	sdelay $0x3  }
0x14b: {  	[tilespmem:s4+$0xFFFFFE80] =	vst v2  }
0x14c: {  	[tilespmem:s4+$0xFFFFFE90] =	vst v3  }
0x14d: {  	v2 =	vld @!p0 [tilespmem:s6+$0x9];
	_ =	sdelay $0x4  }
0x14e: {  	(v2sf) =	vpush @!p0 v2, $0x0;
	_ =	sdelay $0xe  }
0x14f: {  	s9 =	spop @!p0 (v2sf)  }
0x150: {  	s9 =	sand.u32 @!p0 $0xFFFFF80, s9  }
0x151: {  	s30 =	simm.s32 @!p0 $0x5100;
	s9 =	sadd.s32 @!p0 s2, s9  }
0x152: {  	[tilespmem:s30], [sflag:$0x2] =	stream.strided.gather @!p0 [hbm4b:s9+s7], $0x1000, s8, s7, $0x38;
	[tilespmem:$0xC100] =	vst v63  }
0x153: {  	v2 =	vld [tilespmem:s5+$0x2];
	_ =	sdelay $0x4  }
0x154: {  	(v2sf) =	vpush v2, $0x0;
	_ =	sdelay $0xe  }
0x155: {  	s30 =	spop (v2sf)  }
0x156: {  	s9 =	sand.u32 $0x7F, s30  }
0x157: {  	v2 =	vor.u32 s9, v0  }
0x158: {  	v3 =	vor.u32 s9, v1  }
0x159: {  	_ =	swait.ge [sflag:s23], $0x1000  }
0x15a: {  	[sflag:s23] =	ssyncset.done $0x0  }
0x15b: {  	[sflag:s23] =	ssyncadd.s32 $0xFFFFF000  }
0x15c: {  	v2 =	vld.idx.msk [tilespmem:v2+s15+$0x0], $0xffff  }
0x15d: {  	v3 =	vld.idx.msk [tilespmem:v3+s15+$0x0], $0xffff;
	_ =	sdelay $0x3  }
0x15e: {  	[tilespmem:s4+$0xFFFFFF00] =	vst v2  }
0x15f: {  	[tilespmem:s4+$0xFFFFFF10] =	vst v3  }
0x160: {  	v2 =	vld @!p0 [tilespmem:s6+$0xA];
	_ =	sdelay $0x4  }
0x161: {  	(v2sf) =	vpush @!p0 v2, $0x0;
	_ =	sdelay $0xe  }
0x162: {  	s9 =	spop @!p0 (v2sf)  }
0x163: {  	s9 =	sand.u32 @!p0 $0xFFFFF80, s9  }
0x164: {  	s30 =	simm.s32 @!p0 $0x6100;
	s9 =	sadd.s32 @!p0 s2, s9  }
0x165: {  	[tilespmem:s30], [sflag:$0x3] =	stream.strided.gather @!p0 [hbm4b:s9+s7], $0x1000, s8, s7, $0x38;
	[tilespmem:$0xC100] =	vst v63  }
0x166: {  	v2 =	vld [tilespmem:s5+$0x3];
	_ =	sdelay $0x4  }
0x167: {  	(v2sf) =	vpush v2, $0x0;
	_ =	sdelay $0xe  }
0x168: {  	s30 =	spop (v2sf)  }
0x169: {  	s9 =	sand.u32 $0x7F, s30  }
0x16a: {  	v2 =	vor.u32 s9, v0  }
0x16b: {  	v3 =	vor.u32 s9, v1  }
0x16c: {  	_ =	swait.ge [sflag:s24], $0x1000  }
0x16d: {  	[sflag:s24] =	ssyncset.done $0x0  }
0x16e: {  	[sflag:s24] =	ssyncadd.s32 $0xFFFFF000  }
0x16f: {  	v2 =	vld.idx.msk [tilespmem:v2+s16+$0x0], $0xffff  }
0x170: {  	v3 =	vld.idx.msk [tilespmem:v3+s16+$0x0], $0xffff;
	_ =	sdelay $0x3  }
0x171: {  	[tilespmem:s4+$0xFFFFFF80] =	vst v2  }
0x172: {  	[tilespmem:s4+$0xFFFFFF90] =	vst v3  }
0x173: {  	v2 =	vld @!p0 [tilespmem:s6+$0xB];
	_ =	sdelay $0x4  }
0x174: {  	(v2sf) =	vpush @!p0 v2, $0x0;
	_ =	sdelay $0xe  }
0x175: {  	s9 =	spop @!p0 (v2sf)  }
0x176: {  	s9 =	sand.u32 @!p0 $0xFFFFF80, s9  }
0x177: {  	s30 =	simm.s32 @!p0 $0x7100;
	s9 =	sadd.s32 @!p0 s2, s9  }
0x178: {  	[tilespmem:s30], [sflag:$0x4] =	stream.strided.gather @!p0 [hbm4b:s9+s7], $0x1000, s8, s7, $0x38;
	[tilespmem:$0xC100] =	vst v63  }
0x179: {  	v2 =	vld [tilespmem:s5+$0x4];
	_ =	sdelay $0x4  }
0x17a: {  	(v2sf) =	vpush v2, $0x0;
	_ =	sdelay $0xe  }
0x17b: {  	s30 =	spop (v2sf)  }
0x17c: {  	s9 =	sand.u32 $0x7F, s30  }
0x17d: {  	v2 =	vor.u32 s9, v0  }
0x17e: {  	v3 =	vor.u32 s9, v1  }
0x17f: {  	_ =	swait.ge [sflag:s25], $0x1000  }
0x180: {  	[sflag:s25] =	ssyncset.done $0x0  }
0x181: {  	[sflag:s25] =	ssyncadd.s32 $0xFFFFF000  }
0x182: {  	v2 =	vld.idx.msk [tilespmem:v2+s17+$0x0], $0xffff  }
0x183: {  	v3 =	vld.idx.msk [tilespmem:v3+s17+$0x0], $0xffff;
	_ =	sdelay $0x3  }
0x184: {  	[tilespmem:s4+$0x0] =	vst v2  }
0x185: {  	[tilespmem:s4+$0x10] =	vst v3  }
0x186: {  	v2 =	vld @!p0 [tilespmem:s6+$0xC];
	_ =	sdelay $0x4  }
0x187: {  	(v2sf) =	vpush @!p0 v2, $0x0;
	_ =	sdelay $0xe  }
0x188: {  	s9 =	spop @!p0 (v2sf)  }
0x189: {  	s9 =	sand.u32 @!p0 $0xFFFFF80, s9  }
0x18a: {  	s30 =	simm.s32 @!p0 $0x8100;
	s9 =	sadd.s32 @!p0 s2, s9  }
0x18b: {  	[tilespmem:s30], [sflag:$0x5] =	stream.strided.gather @!p0 [hbm4b:s9+s7], $0x1000, s8, s7, $0x38;
	[tilespmem:$0xC100] =	vst v63  }
0x18c: {  	v2 =	vld [tilespmem:s5+$0x5];
	_ =	sdelay $0x4  }
0x18d: {  	(v2sf) =	vpush v2, $0x0;
	_ =	sdelay $0xe  }
0x18e: {  	s30 =	spop (v2sf)  }
0x18f: {  	s9 =	sand.u32 $0x7F, s30  }
0x190: {  	v2 =	vor.u32 s9, v0  }
0x191: {  	v3 =	vor.u32 s9, v1  }
0x192: {  	_ =	swait.ge [sflag:s26], $0x1000  }
0x193: {  	[sflag:s26] =	ssyncset.done $0x0  }
0x194: {  	[sflag:s26] =	ssyncadd.s32 $0xFFFFF000  }
0x195: {  	v2 =	vld.idx.msk [tilespmem:v2+s18+$0x0], $0xffff  }
0x196: {  	v3 =	vld.idx.msk [tilespmem:v3+s18+$0x0], $0xffff;
	_ =	sdelay $0x3  }
0x197: {  	[tilespmem:s4+$0x80] =	vst v2  }
0x198: {  	[tilespmem:s4+$0x90] =	vst v3  }
0x199: {  	v2 =	vld @!p0 [tilespmem:s6+$0xD];
	_ =	sdelay $0x4  }
0x19a: {  	(v2sf) =	vpush @!p0 v2, $0x0;
	_ =	sdelay $0xe  }
0x19b: {  	s9 =	spop @!p0 (v2sf)  }
0x19c: {  	s9 =	sand.u32 @!p0 $0xFFFFF80, s9  }
0x19d: {  	s30 =	simm.s32 @!p0 $0x9100;
	s9 =	sadd.s32 @!p0 s2, s9  }
0x19e: {  	[tilespmem:s30], [sflag:$0x6] =	stream.strided.gather @!p0 [hbm4b:s9+s7], $0x1000, s8, s7, $0x38;
	[tilespmem:$0xC100] =	vst v63  }
0x19f: {  	v2 =	vld [tilespmem:s5+$0x6];
	_ =	sdelay $0x4  }
0x1a0: {  	(v2sf) =	vpush v2, $0x0;
	_ =	sdelay $0xe  }
0x1a1: {  	s30 =	spop (v2sf)  }
0x1a2: {  	s9 =	sand.u32 $0x7F, s30  }
0x1a3: {  	v2 =	vor.u32 s9, v0  }
0x1a4: {  	v3 =	vor.u32 s9, v1  }
0x1a5: {  	_ =	swait.ge [sflag:s28], $0x1000  }
0x1a6: {  	[sflag:s28] =	ssyncset.done $0x0  }
0x1a7: {  	[sflag:s28] =	ssyncadd.s32 $0xFFFFF000  }
0x1a8: {  	v2 =	vld.idx.msk [tilespmem:v2+s19+$0x0], $0xffff  }
0x1a9: {  	v3 =	vld.idx.msk [tilespmem:v3+s19+$0x0], $0xffff;
	_ =	sdelay $0x3  }
0x1aa: {  	[tilespmem:s4+$0x100] =	vst v2  }
0x1ab: {  	[tilespmem:s4+$0x110] =	vst v3  }
0x1ac: {  	v2 =	vld @!p0 [tilespmem:s6+$0xE];
	_ =	sdelay $0x4  }
0x1ad: {  	(v2sf) =	vpush @!p0 v2, $0x0;
	_ =	sdelay $0xe  }
0x1ae: {  	s6 =	spop @!p0 (v2sf)  }
0x1af: {  	s6 =	sand.u32 @!p0 $0xFFFFF80, s6  }
0x1b0: {  	s9 =	simm.s32 @!p0 $0xA100;
	s6 =	sadd.s32 @!p0 s2, s6  }
0x1b1: {  	[tilespmem:s9], [sflag:$0x7] =	stream.strided.gather @!p0 [hbm4b:s6+s7], $0x1000, s8, s7, $0x38;
	[tilespmem:$0xC100] =	vst v63  }
0x1b2: {  	v2 =	vld [tilespmem:s5+$0x7];
	_ =	sdelay $0x4  }
0x1b3: {  	(v2sf) =	vpush v2, $0x0;
	_ =	sdelay $0xe  }
0x1b4: {  	s30 =	spop (v2sf)  }
0x1b5: {  	s6 =	sand.u32 $0x7F, s30  }
0x1b6: {  	v2 =	vor.u32 s6, v0  }
0x1b7: {  	v3 =	vor.u32 s6, v1  }
0x1b8: {  	_ =	swait.ge [sflag:s29], $0x1000  }
0x1b9: {  	[sflag:s29] =	ssyncset.done $0x0  }
0x1ba: {  	[sflag:s29] =	ssyncadd.s32 $0xFFFFF000  }
0x1bb: {  	v2 =	vld.idx.msk [tilespmem:v2+s20+$0x0], $0xffff  }
0x1bc: {  	v3 =	vld.idx.msk [tilespmem:v3+s20+$0x0], $0xffff  }
.Ltmp4:
0x1bd: {  	_ = 	snop;
	(pc) =	sbr.rel @p0 .LBB2_7-.Ltmp4, $3  }
0x1be: {  	_ =	sdelay $0x1  }
0x1bf: {  	[tilespmem:s4+$0x180] =	vst v2  }
0x1c0: {  	[tilespmem:s4+$0x190] =	vst v3  }
0x1c1: {  	v2 =	vld [tilespmem:s5+$0xF];
	_ =	sdelay $0x4  }
0x1c2: {  	(v2sf) =	vpush v2, $0x0;
	_ =	sdelay $0xd  }
.Ltmp5:
0x1c3: {  	_ = 	snop;
	(pc) =	sbr.rel .LBB2_5-.Ltmp5, $4  }
0x1c4: {  	s30 =	spop (v2sf)  }
0x1c5: {  	s5 =	sand.u32 $0xFFFFF80, s30  }
0x1c6: {  	s3 =	sadd.s32 $0x20, s3;
	s4 =	sadd.s32 $0x400, s4;
	s5 =	sadd.s32 s2, s5  }
0x1c7: {  	[tilespmem:s20], [sflag:$0x8] =	stream.strided.gather [hbm4b:s5+s11], $0x1000, s31, s11, $0x38;
	[tilespmem:$0xC100] =	vst v63  }
.LBB2_8:
0x1c8: {  	_ =	sfence.sel $0x180000  }
0x1c9: {  	[bflag:$0x0] =	sbarrier.arrive $0xFFFF  }
0x1ca: {  	_ =	strace $0x90000047  }
0x1cb: {  	s0 =	stileid.u32;
	[bflag:$0x2] =	sbarrier.arrive $0xFFFF  }
0x1cc: {  	p0 =	sne.s32 s0, $0x0;
	s0 =	rddreg [dreg:$0x6]  }
0x1cd: {  	s0 =	sadd.s32 @!p0 $0x100000, s0  }
0x1ce: {  	[sflag:s0] =	ssyncadd.tile.s32 @!p0 $0x1;
	_ =	shalt  }
.Lfunc_end2:
_tile_overlayer_lowered:
.L_overlay_start_2:
0x1cf: {  	(tag) =	ssettag $0x2  }
0x1d0: {  	s0 =	rddreg [dreg:$0x0];
	s2 =	stileid.u32  }
0x1d1: {  	s1 =	rddreg [dreg:$0x1];
	p0 =	sne.s32 s2, $0x0  }
0x1d2: {  	s3 =	rddreg [dreg:$0x2];
	[bflag:$0x3] =	sbarrier.arrive $0xFFFF;
	s2 =	simm.s32 @!p0 $0x1C09  }
0x1d3: {  	[timem:s3], [sflag:s2] =	dma.local @!p0 [hbm:s0], s1  }
0x1d4: {  	s0 =	simm.s32 @!p0 $0x9  }
0x1d5: {  	_ =	swait.ge @!p0 [sflag:s0], s1  }
0x1d6: {  	s1 =	ssub.s32 @!p0 $0x0, s1;
	[sflag:s0] =	ssyncset.done @!p0 $0x0  }
0x1d7: {  	[sflag:s0] =	ssyncadd.s32 @!p0 s1  }
0x1d8: {  	[bflag:$0x3] =	sbarrier.arrive $0xFFFF  }
0x1d9: {  	_ =	shalt  }

</sc_bundles>
